<compile_context>
chip_gen: v7x
topology: tpu7x:2x2x1
jax: 0.10.2.dev20260603
libtpu: 0.0.44.dev20260713+nightly
codegen_flags: <defaults>
</compile_context>

<pallas_src>
import functools

import jax
import jax.numpy as jnp
from jax import lax
from jax.experimental import pallas as pl
from jax.experimental.pallas import tpu as pltpu
from jax.experimental.pallas import tpu_sc as plsc

B = 16384
NUM = 13
CAT = 26
V = 100000
E = 16
H = 400
TOT = (NUM + CAT) * E
NE = NUM * E
CE = CAT * E
BC = B * CAT

_NC = 2
_NS = 16
_NW = _NC * _NS
NPW = BC // _NW
NCHUNK = 8
CH = NPW // NCHUNK


VB = 8192
_FPB = 13
VP = _FPB * VB


def _fold_body(inr, outr):
    a = inr[0]
    w = VB // 8
    b = jnp.concatenate([a[:, i * w:(i + 1) * w] for i in range(8)], axis=0)
    outr[0] = b.T


def _fold(tview):
    return pl.pallas_call(
        _fold_body,
        grid=(CAT, _FPB),
        in_specs=[pl.BlockSpec((1, E, VB), lambda c, j: (c, 0, j))],
        out_specs=pl.BlockSpec((1, VB // 8, 128), lambda c, j: (c, j, 0)),
        out_shape=jax.ShapeDtypeStruct((CAT, VP // 8, 128), jnp.float32),
        compiler_params=pltpu.CompilerParams(
            dimension_semantics=("parallel", "parallel"),
        ),
    )(tview)


def _sc_gather(idx, table_lin):
    mesh = plsc.VectorSubcoreMesh(core_axis_name="c", subcore_axis_name="s")

    @functools.partial(
        pl.kernel,
        mesh=mesh,
        out_type=jax.ShapeDtypeStruct((BC, E), jnp.float32),
        scratch_types=[
            pltpu.VMEM((NCHUNK, CH), jnp.int32),
            pltpu.VMEM((2, CH, E), jnp.float32),
            pltpu.SemaphoreType.DMA,
            pltpu.SemaphoreType.DMA,
            pltpu.SemaphoreType.DMA,
            pltpu.SemaphoreType.DMA,
        ],
        compiler_params=pltpu.CompilerParams(use_tc_tiling_on_sc=False),
    )
    def gather_k(idx_hbm, table_hbm, out_hbm, idx_v, rows_v, g0, g1, s0, s1):
        wid = lax.axis_index("s") * _NC + lax.axis_index("c")
        base = wid * NPW
        pltpu.sync_copy(idx_hbm.at[wid], idx_v)
        gsem = [g0, g1]
        ssem = [s0, s1]
        gcp = [None] * NCHUNK
        scp = [None] * NCHUNK
        gcp[0] = pltpu.async_copy(table_hbm.at[idx_v.at[0]], rows_v.at[0], gsem[0])
        for k in range(NCHUNK):
            if k + 1 < NCHUNK:
                if k >= 1:
                    scp[k - 1].wait()
                gcp[k + 1] = pltpu.async_copy(
                    table_hbm.at[idx_v.at[k + 1]],
                    rows_v.at[(k + 1) % 2],
                    gsem[(k + 1) % 2],
                )
            gcp[k].wait()
            scp[k] = pltpu.async_copy(
                rows_v.at[k % 2],
                out_hbm.at[pl.ds(base + k * CH, CH)],
                ssem[k % 2],
            )
        scp[NCHUNK - 2].wait()
        scp[NCHUNK - 1].wait()

    return gather_k(idx, table_lin)


def _dense_body(xr, cr, nwr, lwr, W1r, b1r, W2r, b2r, W3r, b3r, wfhr, scr, outr):
    x = xr[...]
    cat = cr[...]
    kk = lax.broadcasted_iota(jnp.int32, (NUM, NE), 1) // E
    jj = lax.broadcasted_iota(jnp.int32, (NUM, NE), 0)
    S = (kk == jj).astype(jnp.float32)
    xe = jnp.dot(x, S, preferred_element_type=jnp.float32)
    num_emb = xe * nwr[...]
    lin = jnp.dot(x, lwr[...], preferred_element_type=jnp.float32) + scr[0, 0]
    s1 = jnp.sum(num_emb, axis=1, keepdims=True) + jnp.sum(cat, axis=1, keepdims=True)
    s2 = (jnp.sum(num_emb * num_emb, axis=1, keepdims=True)
          + jnp.sum(cat * cat, axis=1, keepdims=True))
    fm = 0.5 * (s1 * s1 - s2)
    h = (jnp.dot(num_emb, W1r[:NE, :], preferred_element_type=jnp.float32)
         + jnp.dot(cat, W1r[NE:, :], preferred_element_type=jnp.float32)
         + b1r[...])
    h = jnp.maximum(h, 0.0)
    h = jnp.maximum(jnp.dot(h, W2r[...], preferred_element_type=jnp.float32) + b2r[...], 0.0)
    h = jnp.maximum(jnp.dot(h, W3r[...], preferred_element_type=jnp.float32) + b3r[...], 0.0)
    out = (lin * scr[0, 1] + fm * scr[0, 2]
           + jnp.dot(h, wfhr[...], preferred_element_type=jnp.float32) + scr[0, 3])
    outr[...] = jax.nn.sigmoid(out)


def _dense(number_x, cat_emb, nw_flat, lin_w, W1, b1, W2, b2, W3, b3, Wfh, scs, bb=1024):
    grid = (B // bb,)
    blk = lambda r, c: pl.BlockSpec((r, c), lambda i: (0, 0))
    return pl.pallas_call(
        _dense_body,
        grid=grid,
        in_specs=[
            pl.BlockSpec((bb, NUM), lambda i: (i, 0)),
            pl.BlockSpec((bb, CE), lambda i: (i, 0)),
            blk(1, NE),
            blk(NUM, 1),
            blk(TOT, H),
            blk(1, H),
            blk(H, H),
            blk(1, H),
            blk(H, H),
            blk(1, H),
            blk(H, 1),
            pl.BlockSpec(memory_space=pltpu.SMEM),
        ],
        out_specs=pl.BlockSpec((bb, 1), lambda i: (i, 0)),
        out_shape=jax.ShapeDtypeStruct((B, 1), jnp.float32),
        compiler_params=pltpu.CompilerParams(
            dimension_semantics=("arbitrary",),
        ),
    )(number_x, cat_emb, nw_flat, lin_w, W1, b1, W2, b2, W3, b3, Wfh, scs)


def kernel(number_x, category_x, num_emb_w, cat_tables, lin_w, lin_b, W1, b1, W2, b2, W3, b3, Wf, bf):
    tview = cat_tables.transpose(0, 2, 1)
    table_lin = _fold(tview)
    vb8 = VB // 8
    j = category_x // VB
    rem = category_x % VB
    row = j * VB + (rem % vb8) * 8 + (rem // vb8)
    flat_idx = (row + (jnp.arange(CAT, dtype=jnp.int32) * VP)[None, :]).reshape(_NW, NCHUNK, CH)
    cat_rows = _sc_gather(flat_idx, table_lin.reshape(CAT * VP, E))
    cat_emb = cat_rows.reshape(B, CE)
    scs = jnp.concatenate(
        [lin_b.reshape(1, 1), Wf[0:1, 0:1], Wf[1:2, 0:1], bf.reshape(1, 1)], axis=1)
    return _dense(number_x, cat_emb, num_emb_w.reshape(1, NE), lin_w,
                  W1, b1.reshape(1, H), W2, b2.reshape(1, H), W3, b3.reshape(1, H),
                  Wf[2:, :], scs)

# --- scband reference (transcript-rebuilt; emitter-appended) ---
"""Pipeline reference for scband-deep-fm-18279380812221 (READ-ONLY COPY).

The authoritative reference and input builder live on the scoring server;
editing this copy changes nothing except your own understanding.
"""

import jax, jax.numpy as jnp
import numpy as np

B = 16384; NUM = 13; CAT = 26; V = 100000; E = 16; H = 400
TOT = (NUM + CAT) * E

def setup_inputs(seed=0):
    key = jax.random.key(seed)
    ks = jax.random.split(key, 16)
    inp = {}
    inp["number_x"] = jax.random.normal(ks[0], (B, NUM), dtype=jnp.float32)
    inp["category_x"] = jax.random.randint(ks[1], (B, CAT), 0, V, dtype=jnp.int32)
    inp["num_emb_w"] = jax.random.normal(ks[2], (NUM, E), dtype=jnp.float32) * 0.05
    inp["cat_tables"] = jax.random.normal(ks[3], (CAT, V, E), dtype=jnp.float32) * 0.05
    inp["lin_w"] = jax.random.normal(ks[4], (NUM, 1), dtype=jnp.float32) * 0.05
    inp["lin_b"] = jnp.zeros((1,), dtype=jnp.float32)
    inp["W1"] = jax.random.normal(ks[5], (TOT, H), dtype=jnp.float32) * 0.05
    inp["b1"] = jnp.zeros((H,), dtype=jnp.float32)
    inp["W2"] = jax.random.normal(ks[6], (H, H), dtype=jnp.float32) * 0.05
    inp["b2"] = jnp.zeros((H,), dtype=jnp.float32)
    inp["W3"] = jax.random.normal(ks[7], (H, H), dtype=jnp.float32) * 0.05
    inp["b3"] = jnp.zeros((H,), dtype=jnp.float32)
    inp["Wf"] = jax.random.normal(ks[8], (2 + H, 1), dtype=jnp.float32) * 0.05
    inp["bf"] = jnp.zeros((1,), dtype=jnp.float32)
    return inp

def _forward(number_x, category_x, num_emb_w, cat_tables, lin_w, lin_b, W1, b1, W2, b2, W3, b3, Wf, bf):
    # linear part over dense features: MLP(13, [1]) == Linear(13, 1)
    linear_out = number_x @ lin_w + lin_b  # [B, 1]
    # number-feature embeddings: Linear(1, E, bias=False) per field -> x_j * w_j
    num_emb = number_x[:, :, None] * num_emb_w[None, :, :]  # [B, NUM, E]
    # category embeddings: per-field embedding lookup (SparseCore gather)
    cat_emb = cat_tables[jnp.arange(CAT)[None, :], category_x]  # [B, CAT, E]
    emb_concat = jnp.concatenate([num_emb.reshape(B, NUM * E), cat_emb.reshape(B, CAT * E)], axis=1)  # [B, TOT]
    # FM second-order term on concatenated embeddings: 0.5 * ((sum x)^2 - sum x^2)
    square_of_sum = jnp.sum(emb_concat, axis=1, keepdims=True) ** 2
    sum_of_square = jnp.sum(emb_concat ** 2, axis=1, keepdims=True)
    fm_out = 0.5 * (square_of_sum - sum_of_square)  # [B, 1]
    # deep MLP: [TOT -> 400 -> 400 -> 400], relu
    h = jax.nn.relu(emb_concat @ W1 + b1)
    h = jax.nn.relu(h @ W2 + b2)
    h = jax.nn.relu(h @ W3 + b3)
    final_in = jnp.concatenate([linear_out, fm_out, h], axis=1)  # [B, 402]
    out = final_in @ Wf + bf  # [B, 1] (num_classes==2 with sigmoid -> single logit)
    return jax.nn.sigmoid(out)

def reference(number_x, category_x, num_emb_w, cat_tables, lin_w, lin_b, W1, b1, W2, b2, W3, b3, Wf, bf):
    return _forward(number_x, category_x, num_emb_w, cat_tables, lin_w, lin_b, W1, b1, W2, b2, W3, b3, Wf, bf)

if __name__ == "__main__":
    import jax
    _d = setup_inputs()
    print(jax.jit(kernel)(*tuple(_d.values())))

</pallas_src>

<mosaic_0001>
#map = affine_map<(d0, d1) -> (0, 0, 0)>
#map1 = affine_map<(d0, d1) -> (0, 0)>
module attributes {stable_mosaic.version = 14 : i64} {
  func.func @gather_k(%arg0: i32, %arg1: i32, %arg2: memref<32x8x1664xi32, #tpu.memory_space<hbm>>, %arg3: memref<2768896x16xf32, #tpu.memory_space<hbm>>, %arg4: memref<425984x16xf32, #tpu.memory_space<hbm>>, %arg5: memref<8x1664xi32, #tpu.memory_space<vmem>>, %arg6: memref<2x1664x16xf32, #tpu.memory_space<vmem>>, %arg7: memref<!tpu.dma_semaphore, #tpu.memory_space<semaphore_mem>>, %arg8: memref<!tpu.dma_semaphore, #tpu.memory_space<semaphore_mem>>, %arg9: memref<!tpu.dma_semaphore, #tpu.memory_space<semaphore_mem>>, %arg10: memref<!tpu.dma_semaphore, #tpu.memory_space<semaphore_mem>>) attributes {dimension_semantics = [#tpu.dimension_semantics<core_parallel>, #tpu.dimension_semantics<subcore_parallel>], iteration_bounds = array<i64: 2, 16>, scalar_prefetch = 0 : i64, scratch_operands = 6 : i64, tpu.core_type = #tpu.core_type<sc_vector_subcore>, window_params = [{transform_indices = #map}, {transform_indices = #map1}, {transform_indices = #map1}]} {
    %mul3A = arith.constant 2 : i32
    %mul3A_0 = arith.muli %arg1, %mul3A : i32
    %add3A = arith.addi %mul3A_0, %arg0 : i32
    %mul3A_1 = arith.constant 13312 : i32
    %mul3A_2 = arith.muli %add3A, %mul3A_1 : i32
    "tpu.region"() ({
      %run_scoped3A = tpu.sem_alloc : memref<!tpu.dma_semaphore, #tpu.memory_space<semaphore_mem>>
      %dma_start3A_417 = arith.constant 0 : i32
      %dma_start3A_418 = arith.constant 0 : i32
      %dma_start3A_419 = tpu.memref_slice %arg2[%add3A, %dma_start3A_417, %dma_start3A_418] : memref<32x8x1664xi32, #tpu.memory_space<hbm>> -> memref<1x8x1664xi32, #tpu.memory_space<hbm>>
      %dma_start3A_420 = tpu.memref_squeeze %dma_start3A_419 : memref<1x8x1664xi32, #tpu.memory_space<hbm>> -> memref<8x1664xi32, #tpu.memory_space<hbm>>
      %dma_start3A_421 = arith.constant 0 : i32
      %dma_start3A_422 = arith.constant 0 : i32
      %dma_start3A_423 = tpu.memref_slice %arg2[%add3A, %dma_start3A_421, %dma_start3A_422] : memref<32x8x1664xi32, #tpu.memory_space<hbm>> -> memref<1x8x1664xi32, #tpu.memory_space<hbm>>
      %dma_start3A_424 = tpu.memref_squeeze %dma_start3A_423 : memref<1x8x1664xi32, #tpu.memory_space<hbm>> -> memref<8x1664xi32, #tpu.memory_space<hbm>>
      tpu.enqueue_dma source(%dma_start3A_424 : memref<8x1664xi32, #tpu.memory_space<hbm>>) target(%arg5 : memref<8x1664xi32, #tpu.memory_space<vmem>>) target_semaphore(%run_scoped3A : memref<!tpu.dma_semaphore, #tpu.memory_space<semaphore_mem>>)
      %dma_wait3A_425 = arith.constant 0 : i32
      %dma_wait3A_426 = arith.constant 0 : i32
      %dma_wait3A_427 = tpu.memref_slice %arg2[%add3A, %dma_wait3A_425, %dma_wait3A_426] : memref<32x8x1664xi32, #tpu.memory_space<hbm>> -> memref<1x8x1664xi32, #tpu.memory_space<hbm>>
      %dma_wait3A_428 = tpu.memref_squeeze %dma_wait3A_427 : memref<1x8x1664xi32, #tpu.memory_space<hbm>> -> memref<8x1664xi32, #tpu.memory_space<hbm>>
      %dma_wait3A_429 = arith.constant 0 : i32
      %dma_wait3A_430 = arith.constant 0 : i32
      %dma_wait3A_431 = tpu.memref_slice %arg2[%add3A, %dma_wait3A_429, %dma_wait3A_430] : memref<32x8x1664xi32, #tpu.memory_space<hbm>> -> memref<1x8x1664xi32, #tpu.memory_space<hbm>>
      %dma_wait3A_432 = tpu.memref_squeeze %dma_wait3A_431 : memref<1x8x1664xi32, #tpu.memory_space<hbm>> -> memref<8x1664xi32, #tpu.memory_space<hbm>>
      tpu.wait_dma2 semaphore(%run_scoped3A : memref<!tpu.dma_semaphore, #tpu.memory_space<semaphore_mem>>) src(%dma_wait3A_432 : memref<8x1664xi32, #tpu.memory_space<hbm>>) dst(%arg5 : memref<8x1664xi32, #tpu.memory_space<vmem>>)
      tpu.yield
    }) : () -> ()
    %dma_start3A = arith.constant 0 : i32
    %dma_start3A_3 = arith.constant 0 : i32
    %dma_start3A_4 = arith.constant 0 : i32
    %dma_start3A_5 = arith.constant 0 : i32
    %dma_start3A_6 = tpu.memref_slice %arg6[%dma_start3A_3, %dma_start3A_4, %dma_start3A_5] : memref<2x1664x16xf32, #tpu.memory_space<vmem>> -> memref<1x1664x16xf32, #tpu.memory_space<vmem>>
    %dma_start3A_7 = tpu.memref_squeeze %dma_start3A_6 : memref<1x1664x16xf32, #tpu.memory_space<vmem>> -> memref<1664x16xf32, #tpu.memory_space<vmem>>
    %dma_start3A_8 = arith.constant 0 : i32
    %dma_start3A_9 = tpu.memref_slice %arg5[%dma_start3A, %dma_start3A_8] : memref<8x1664xi32, #tpu.memory_space<vmem>> -> memref<1x1664xi32, #tpu.memory_space<vmem>>
    %dma_start3A_10 = tpu.memref_squeeze %dma_start3A_9 : memref<1x1664xi32, #tpu.memory_space<vmem>> -> memref<1664xi32, #tpu.memory_space<vmem>>
    %dma_start3A_11 = arith.constant 0 : i32
    %dma_start3A_12 = arith.constant 0 : i32
    %dma_start3A_13 = tpu.memref_slice %arg3[%dma_start3A_11, %dma_start3A_12] : memref<2768896x16xf32, #tpu.memory_space<hbm>> -> memref<2768896x16xf32, #tpu.memory_space<hbm>>
    tpu.enqueue_indirect_dma source(%dma_start3A_13 : memref<2768896x16xf32, #tpu.memory_space<hbm>>) target(%dma_start3A_7 : memref<1664x16xf32, #tpu.memory_space<vmem>>) offsets(%dma_start3A_10 : memref<1664xi32, #tpu.memory_space<vmem>>) semaphore(%arg7 : memref<!tpu.dma_semaphore, #tpu.memory_space<semaphore_mem>>)
    %dma_start3A_14 = arith.constant 1 : i32
    %dma_start3A_15 = arith.constant 1 : i32
    %dma_start3A_16 = arith.constant 0 : i32
    %dma_start3A_17 = arith.constant 0 : i32
    %dma_start3A_18 = tpu.memref_slice %arg6[%dma_start3A_15, %dma_start3A_16, %dma_start3A_17] : memref<2x1664x16xf32, #tpu.memory_space<vmem>> -> memref<1x1664x16xf32, #tpu.memory_space<vmem>>
    %dma_start3A_19 = tpu.memref_squeeze %dma_start3A_18 : memref<1x1664x16xf32, #tpu.memory_space<vmem>> -> memref<1664x16xf32, #tpu.memory_space<vmem>>
    %dma_start3A_20 = arith.constant 0 : i32
    %dma_start3A_21 = tpu.memref_slice %arg5[%dma_start3A_14, %dma_start3A_20] : memref<8x1664xi32, #tpu.memory_space<vmem>> -> memref<1x1664xi32, #tpu.memory_space<vmem>>
    %dma_start3A_22 = tpu.memref_squeeze %dma_start3A_21 : memref<1x1664xi32, #tpu.memory_space<vmem>> -> memref<1664xi32, #tpu.memory_space<vmem>>
    %dma_start3A_23 = arith.constant 0 : i32
    %dma_start3A_24 = arith.constant 0 : i32
    %dma_start3A_25 = tpu.memref_slice %arg3[%dma_start3A_23, %dma_start3A_24] : memref<2768896x16xf32, #tpu.memory_space<hbm>> -> memref<2768896x16xf32, #tpu.memory_space<hbm>>
    tpu.enqueue_indirect_dma source(%dma_start3A_25 : memref<2768896x16xf32, #tpu.memory_space<hbm>>) target(%dma_start3A_19 : memref<1664x16xf32, #tpu.memory_space<vmem>>) offsets(%dma_start3A_22 : memref<1664xi32, #tpu.memory_space<vmem>>) semaphore(%arg8 : memref<!tpu.dma_semaphore, #tpu.memory_space<semaphore_mem>>)
    %dma_wait3A = arith.constant 0 : i32
    %dma_wait3A_26 = arith.constant 0 : i32
    %dma_wait3A_27 = arith.constant 0 : i32
    %dma_wait3A_28 = arith.constant 0 : i32
    %dma_wait3A_29 = tpu.memref_slice %arg6[%dma_wait3A_26, %dma_wait3A_27, %dma_wait3A_28] : memref<2x1664x16xf32, #tpu.memory_space<vmem>> -> memref<1x1664x16xf32, #tpu.memory_space<vmem>>
    %dma_wait3A_30 = tpu.memref_squeeze %dma_wait3A_29 : memref<1x1664x16xf32, #tpu.memory_space<vmem>> -> memref<1664x16xf32, #tpu.memory_space<vmem>>
    %dma_wait3A_31 = arith.constant 0 : i32
    %dma_wait3A_32 = tpu.memref_slice %arg5[%dma_wait3A, %dma_wait3A_31] : memref<8x1664xi32, #tpu.memory_space<vmem>> -> memref<1x1664xi32, #tpu.memory_space<vmem>>
    %dma_wait3A_33 = tpu.memref_squeeze %dma_wait3A_32 : memref<1x1664xi32, #tpu.memory_space<vmem>> -> memref<1664xi32, #tpu.memory_space<vmem>>
    %dma_wait3A_34 = arith.constant 0 : i32
    %dma_wait3A_35 = arith.constant 0 : i32
    %dma_wait3A_36 = tpu.memref_slice %arg3[%dma_wait3A_34, %dma_wait3A_35] : memref<2768896x16xf32, #tpu.memory_space<hbm>> -> memref<2768896x16xf32, #tpu.memory_space<hbm>>
    tpu.wait_indirect_dma semaphore(%arg7 : memref<!tpu.dma_semaphore, #tpu.memory_space<semaphore_mem>>) src(%dma_wait3A_36 : memref<2768896x16xf32, #tpu.memory_space<hbm>>) dst(%dma_wait3A_30 : memref<1664x16xf32, #tpu.memory_space<vmem>>)
    %add3A_37 = arith.constant 0 : i32
    %add3A_38 = arith.addi %mul3A_2, %add3A_37 : i32
    %dma_start3A_39 = arith.constant 0 : i32
    %dma_start3A_40 = arith.constant 0 : i32
    %dma_start3A_41 = arith.constant 0 : i32
    %dma_start3A_42 = tpu.memref_slice %arg6[%dma_start3A_39, %dma_start3A_40, %dma_start3A_41] : memref<2x1664x16xf32, #tpu.memory_space<vmem>> -> memref<1x1664x16xf32, #tpu.memory_space<vmem>>
    %dma_start3A_43 = tpu.memref_squeeze %dma_start3A_42 : memref<1x1664x16xf32, #tpu.memory_space<vmem>> -> memref<1664x16xf32, #tpu.memory_space<vmem>>
    %dma_start3A_44 = arith.constant 0 : i32
    %dma_start3A_45 = tpu.memref_slice %arg4[%add3A_38, %dma_start3A_44] : memref<425984x16xf32, #tpu.memory_space<hbm>> -> memref<1664x16xf32, #tpu.memory_space<hbm>>
    %dma_start3A_46 = arith.constant 0 : i32
    %dma_start3A_47 = tpu.memref_slice %arg4[%add3A_38, %dma_start3A_46] : memref<425984x16xf32, #tpu.memory_space<hbm>> -> memref<1664x16xf32, #tpu.memory_space<hbm>>
    %dma_start3A_48 = arith.constant 0 : i32
    %dma_start3A_49 = arith.constant 0 : i32
    %dma_start3A_50 = tpu.memref_slice %arg6[%dma_start3A_39, %dma_start3A_48, %dma_start3A_49] : memref<2x1664x16xf32, #tpu.memory_space<vmem>> -> memref<1x1664x16xf32, #tpu.memory_space<vmem>>
    %dma_start3A_51 = tpu.memref_squeeze %dma_start3A_50 : memref<1x1664x16xf32, #tpu.memory_space<vmem>> -> memref<1664x16xf32, #tpu.memory_space<vmem>>
    tpu.enqueue_dma source(%dma_start3A_51 : memref<1664x16xf32, #tpu.memory_space<vmem>>) target(%dma_start3A_47 : memref<1664x16xf32, #tpu.memory_space<hbm>>) target_semaphore(%arg9 : memref<!tpu.dma_semaphore, #tpu.memory_space<semaphore_mem>>)
    %dma_wait3A_52 = arith.constant 0 : i32
    %dma_wait3A_53 = arith.constant 0 : i32
    %dma_wait3A_54 = arith.constant 0 : i32
    %dma_wait3A_55 = tpu.memref_slice %arg6[%dma_wait3A_52, %dma_wait3A_53, %dma_wait3A_54] : memref<2x1664x16xf32, #tpu.memory_space<vmem>> -> memref<1x1664x16xf32, #tpu.memory_space<vmem>>
    %dma_wait3A_56 = tpu.memref_squeeze %dma_wait3A_55 : memref<1x1664x16xf32, #tpu.memory_space<vmem>> -> memref<1664x16xf32, #tpu.memory_space<vmem>>
    %dma_wait3A_57 = arith.constant 0 : i32
    %dma_wait3A_58 = tpu.memref_slice %arg4[%add3A_38, %dma_wait3A_57] : memref<425984x16xf32, #tpu.memory_space<hbm>> -> memref<1664x16xf32, #tpu.memory_space<hbm>>
    %dma_wait3A_59 = arith.constant 0 : i32
    %dma_wait3A_60 = tpu.memref_slice %arg4[%add3A_38, %dma_wait3A_59] : memref<425984x16xf32, #tpu.memory_space<hbm>> -> memref<1664x16xf32, #tpu.memory_space<hbm>>
    %dma_wait3A_61 = arith.constant 0 : i32
    %dma_wait3A_62 = arith.constant 0 : i32
    %dma_wait3A_63 = tpu.memref_slice %arg6[%dma_wait3A_52, %dma_wait3A_61, %dma_wait3A_62] : memref<2x1664x16xf32, #tpu.memory_space<vmem>> -> memref<1x1664x16xf32, #tpu.memory_space<vmem>>
    %dma_wait3A_64 = tpu.memref_squeeze %dma_wait3A_63 : memref<1x1664x16xf32, #tpu.memory_space<vmem>> -> memref<1664x16xf32, #tpu.memory_space<vmem>>
    tpu.wait_dma2 semaphore(%arg9 : memref<!tpu.dma_semaphore, #tpu.memory_space<semaphore_mem>>) src(%dma_wait3A_64 : memref<1664x16xf32, #tpu.memory_space<vmem>>) dst(%dma_wait3A_60 : memref<1664x16xf32, #tpu.memory_space<hbm>>)
    %dma_start3A_65 = arith.constant 2 : i32
    %dma_start3A_66 = arith.constant 0 : i32
    %dma_start3A_67 = arith.constant 0 : i32
    %dma_start3A_68 = arith.constant 0 : i32
    %dma_start3A_69 = tpu.memref_slice %arg6[%dma_start3A_66, %dma_start3A_67, %dma_start3A_68] : memref<2x1664x16xf32, #tpu.memory_space<vmem>> -> memref<1x1664x16xf32, #tpu.memory_space<vmem>>
    %dma_start3A_70 = tpu.memref_squeeze %dma_start3A_69 : memref<1x1664x16xf32, #tpu.memory_space<vmem>> -> memref<1664x16xf32, #tpu.memory_space<vmem>>
    %dma_start3A_71 = arith.constant 0 : i32
    %dma_start3A_72 = tpu.memref_slice %arg5[%dma_start3A_65, %dma_start3A_71] : memref<8x1664xi32, #tpu.memory_space<vmem>> -> memref<1x1664xi32, #tpu.memory_space<vmem>>
    %dma_start3A_73 = tpu.memref_squeeze %dma_start3A_72 : memref<1x1664xi32, #tpu.memory_space<vmem>> -> memref<1664xi32, #tpu.memory_space<vmem>>
    %dma_start3A_74 = arith.constant 0 : i32
    %dma_start3A_75 = arith.constant 0 : i32
    %dma_start3A_76 = tpu.memref_slice %arg3[%dma_start3A_74, %dma_start3A_75] : memref<2768896x16xf32, #tpu.memory_space<hbm>> -> memref<2768896x16xf32, #tpu.memory_space<hbm>>
    tpu.enqueue_indirect_dma source(%dma_start3A_76 : memref<2768896x16xf32, #tpu.memory_space<hbm>>) target(%dma_start3A_70 : memref<1664x16xf32, #tpu.memory_space<vmem>>) offsets(%dma_start3A_73 : memref<1664xi32, #tpu.memory_space<vmem>>) semaphore(%arg7 : memref<!tpu.dma_semaphore, #tpu.memory_space<semaphore_mem>>)
    %dma_wait3A_77 = arith.constant 1 : i32
    %dma_wait3A_78 = arith.constant 1 : i32
    %dma_wait3A_79 = arith.constant 0 : i32
    %dma_wait3A_80 = arith.constant 0 : i32
    %dma_wait3A_81 = tpu.memref_slice %arg6[%dma_wait3A_78, %dma_wait3A_79, %dma_wait3A_80] : memref<2x1664x16xf32, #tpu.memory_space<vmem>> -> memref<1x1664x16xf32, #tpu.memory_space<vmem>>
    %dma_wait3A_82 = tpu.memref_squeeze %dma_wait3A_81 : memref<1x1664x16xf32, #tpu.memory_space<vmem>> -> memref<1664x16xf32, #tpu.memory_space<vmem>>
    %dma_wait3A_83 = arith.constant 0 : i32
    %dma_wait3A_84 = tpu.memref_slice %arg5[%dma_wait3A_77, %dma_wait3A_83] : memref<8x1664xi32, #tpu.memory_space<vmem>> -> memref<1x1664xi32, #tpu.memory_space<vmem>>
    %dma_wait3A_85 = tpu.memref_squeeze %dma_wait3A_84 : memref<1x1664xi32, #tpu.memory_space<vmem>> -> memref<1664xi32, #tpu.memory_space<vmem>>
    %dma_wait3A_86 = arith.constant 0 : i32
    %dma_wait3A_87 = arith.constant 0 : i32
    %dma_wait3A_88 = tpu.memref_slice %arg3[%dma_wait3A_86, %dma_wait3A_87] : memref<2768896x16xf32, #tpu.memory_space<hbm>> -> memref<2768896x16xf32, #tpu.memory_space<hbm>>
    tpu.wait_indirect_dma semaphore(%arg8 : memref<!tpu.dma_semaphore, #tpu.memory_space<semaphore_mem>>) src(%dma_wait3A_88 : memref<2768896x16xf32, #tpu.memory_space<hbm>>) dst(%dma_wait3A_82 : memref<1664x16xf32, #tpu.memory_space<vmem>>)
    %add3A_89 = arith.constant 1664 : i32
    %add3A_90 = arith.addi %mul3A_2, %add3A_89 : i32
    %dma_start3A_91 = arith.constant 1 : i32
    %dma_start3A_92 = arith.constant 0 : i32
    %dma_start3A_93 = arith.constant 0 : i32
    %dma_start3A_94 = tpu.memref_slice %arg6[%dma_start3A_91, %dma_start3A_92, %dma_start3A_93] : memref<2x1664x16xf32, #tpu.memory_space<vmem>> -> memref<1x1664x16xf32, #tpu.memory_space<vmem>>
    %dma_start3A_95 = tpu.memref_squeeze %dma_start3A_94 : memref<1x1664x16xf32, #tpu.memory_space<vmem>> -> memref<1664x16xf32, #tpu.memory_space<vmem>>
    %dma_start3A_96 = arith.constant 0 : i32
    %dma_start3A_97 = tpu.memref_slice %arg4[%add3A_90, %dma_start3A_96] : memref<425984x16xf32, #tpu.memory_space<hbm>> -> memref<1664x16xf32, #tpu.memory_space<hbm>>
    %dma_start3A_98 = arith.constant 0 : i32
    %dma_start3A_99 = tpu.memref_slice %arg4[%add3A_90, %dma_start3A_98] : memref<425984x16xf32, #tpu.memory_space<hbm>> -> memref<1664x16xf32, #tpu.memory_space<hbm>>
    %dma_start3A_100 = arith.constant 0 : i32
    %dma_start3A_101 = arith.constant 0 : i32
    %dma_start3A_102 = tpu.memref_slice %arg6[%dma_start3A_91, %dma_start3A_100, %dma_start3A_101] : memref<2x1664x16xf32, #tpu.memory_space<vmem>> -> memref<1x1664x16xf32, #tpu.memory_space<vmem>>
    %dma_start3A_103 = tpu.memref_squeeze %dma_start3A_102 : memref<1x1664x16xf32, #tpu.memory_space<vmem>> -> memref<1664x16xf32, #tpu.memory_space<vmem>>
    tpu.enqueue_dma source(%dma_start3A_103 : memref<1664x16xf32, #tpu.memory_space<vmem>>) target(%dma_start3A_99 : memref<1664x16xf32, #tpu.memory_space<hbm>>) target_semaphore(%arg10 : memref<!tpu.dma_semaphore, #tpu.memory_space<semaphore_mem>>)
    %dma_wait3A_104 = arith.constant 1 : i32
    %dma_wait3A_105 = arith.constant 0 : i32
    %dma_wait3A_106 = arith.constant 0 : i32
    %dma_wait3A_107 = tpu.memref_slice %arg6[%dma_wait3A_104, %dma_wait3A_105, %dma_wait3A_106] : memref<2x1664x16xf32, #tpu.memory_space<vmem>> -> memref<1x1664x16xf32, #tpu.memory_space<vmem>>
    %dma_wait3A_108 = tpu.memref_squeeze %dma_wait3A_107 : memref<1x1664x16xf32, #tpu.memory_space<vmem>> -> memref<1664x16xf32, #tpu.memory_space<vmem>>
    %dma_wait3A_109 = arith.constant 0 : i32
    %dma_wait3A_110 = tpu.memref_slice %arg4[%add3A_90, %dma_wait3A_109] : memref<425984x16xf32, #tpu.memory_space<hbm>> -> memref<1664x16xf32, #tpu.memory_space<hbm>>
    %dma_wait3A_111 = arith.constant 0 : i32
    %dma_wait3A_112 = tpu.memref_slice %arg4[%add3A_90, %dma_wait3A_111] : memref<425984x16xf32, #tpu.memory_space<hbm>> -> memref<1664x16xf32, #tpu.memory_space<hbm>>
    %dma_wait3A_113 = arith.constant 0 : i32
    %dma_wait3A_114 = arith.constant 0 : i32
    %dma_wait3A_115 = tpu.memref_slice %arg6[%dma_wait3A_104, %dma_wait3A_113, %dma_wait3A_114] : memref<2x1664x16xf32, #tpu.memory_space<vmem>> -> memref<1x1664x16xf32, #tpu.memory_space<vmem>>
    %dma_wait3A_116 = tpu.memref_squeeze %dma_wait3A_115 : memref<1x1664x16xf32, #tpu.memory_space<vmem>> -> memref<1664x16xf32, #tpu.memory_space<vmem>>
    tpu.wait_dma2 semaphore(%arg10 : memref<!tpu.dma_semaphore, #tpu.memory_space<semaphore_mem>>) src(%dma_wait3A_116 : memref<1664x16xf32, #tpu.memory_space<vmem>>) dst(%dma_wait3A_112 : memref<1664x16xf32, #tpu.memory_space<hbm>>)
    %dma_start3A_117 = arith.constant 3 : i32
    %dma_start3A_118 = arith.constant 1 : i32
    %dma_start3A_119 = arith.constant 0 : i32
    %dma_start3A_120 = arith.constant 0 : i32
    %dma_start3A_121 = tpu.memref_slice %arg6[%dma_start3A_118, %dma_start3A_119, %dma_start3A_120] : memref<2x1664x16xf32, #tpu.memory_space<vmem>> -> memref<1x1664x16xf32, #tpu.memory_space<vmem>>
    %dma_start3A_122 = tpu.memref_squeeze %dma_start3A_121 : memref<1x1664x16xf32, #tpu.memory_space<vmem>> -> memref<1664x16xf32, #tpu.memory_space<vmem>>
    %dma_start3A_123 = arith.constant 0 : i32
    %dma_start3A_124 = tpu.memref_slice %arg5[%dma_start3A_117, %dma_start3A_123] : memref<8x1664xi32, #tpu.memory_space<vmem>> -> memref<1x1664xi32, #tpu.memory_space<vmem>>
    %dma_start3A_125 = tpu.memref_squeeze %dma_start3A_124 : memref<1x1664xi32, #tpu.memory_space<vmem>> -> memref<1664xi32, #tpu.memory_space<vmem>>
    %dma_start3A_126 = arith.constant 0 : i32
    %dma_start3A_127 = arith.constant 0 : i32
    %dma_start3A_128 = tpu.memref_slice %arg3[%dma_start3A_126, %dma_start3A_127] : memref<2768896x16xf32, #tpu.memory_space<hbm>> -> memref<2768896x16xf32, #tpu.memory_space<hbm>>
    tpu.enqueue_indirect_dma source(%dma_start3A_128 : memref<2768896x16xf32, #tpu.memory_space<hbm>>) target(%dma_start3A_122 : memref<1664x16xf32, #tpu.memory_space<vmem>>) offsets(%dma_start3A_125 : memref<1664xi32, #tpu.memory_space<vmem>>) semaphore(%arg8 : memref<!tpu.dma_semaphore, #tpu.memory_space<semaphore_mem>>)
    %dma_wait3A_129 = arith.constant 2 : i32
    %dma_wait3A_130 = arith.constant 0 : i32
    %dma_wait3A_131 = arith.constant 0 : i32
    %dma_wait3A_132 = arith.constant 0 : i32
    %dma_wait3A_133 = tpu.memref_slice %arg6[%dma_wait3A_130, %dma_wait3A_131, %dma_wait3A_132] : memref<2x1664x16xf32, #tpu.memory_space<vmem>> -> memref<1x1664x16xf32, #tpu.memory_space<vmem>>
    %dma_wait3A_134 = tpu.memref_squeeze %dma_wait3A_133 : memref<1x1664x16xf32, #tpu.memory_space<vmem>> -> memref<1664x16xf32, #tpu.memory_space<vmem>>
    %dma_wait3A_135 = arith.constant 0 : i32
    %dma_wait3A_136 = tpu.memref_slice %arg5[%dma_wait3A_129, %dma_wait3A_135] : memref<8x1664xi32, #tpu.memory_space<vmem>> -> memref<1x1664xi32, #tpu.memory_space<vmem>>
    %dma_wait3A_137 = tpu.memref_squeeze %dma_wait3A_136 : memref<1x1664xi32, #tpu.memory_space<vmem>> -> memref<1664xi32, #tpu.memory_space<vmem>>
    %dma_wait3A_138 = arith.constant 0 : i32
    %dma_wait3A_139 = arith.constant 0 : i32
    %dma_wait3A_140 = tpu.memref_slice %arg3[%dma_wait3A_138, %dma_wait3A_139] : memref<2768896x16xf32, #tpu.memory_space<hbm>> -> memref<2768896x16xf32, #tpu.memory_space<hbm>>
    tpu.wait_indirect_dma semaphore(%arg7 : memref<!tpu.dma_semaphore, #tpu.memory_space<semaphore_mem>>) src(%dma_wait3A_140 : memref<2768896x16xf32, #tpu.memory_space<hbm>>) dst(%dma_wait3A_134 : memref<1664x16xf32, #tpu.memory_space<vmem>>)
    %add3A_141 = arith.constant 3328 : i32
    %add3A_142 = arith.addi %mul3A_2, %add3A_141 : i32
    %dma_start3A_143 = arith.constant 0 : i32
    %dma_start3A_144 = arith.constant 0 : i32
    %dma_start3A_145 = arith.constant 0 : i32
    %dma_start3A_146 = tpu.memref_slice %arg6[%dma_start3A_143, %dma_start3A_144, %dma_start3A_145] : memref<2x1664x16xf32, #tpu.memory_space<vmem>> -> memref<1x1664x16xf32, #tpu.memory_space<vmem>>
    %dma_start3A_147 = tpu.memref_squeeze %dma_start3A_146 : memref<1x1664x16xf32, #tpu.memory_space<vmem>> -> memref<1664x16xf32, #tpu.memory_space<vmem>>
    %dma_start3A_148 = arith.constant 0 : i32
    %dma_start3A_149 = tpu.memref_slice %arg4[%add3A_142, %dma_start3A_148] : memref<425984x16xf32, #tpu.memory_space<hbm>> -> memref<1664x16xf32, #tpu.memory_space<hbm>>
    %dma_start3A_150 = arith.constant 0 : i32
    %dma_start3A_151 = tpu.memref_slice %arg4[%add3A_142, %dma_start3A_150] : memref<425984x16xf32, #tpu.memory_space<hbm>> -> memref<1664x16xf32, #tpu.memory_space<hbm>>
    %dma_start3A_152 = arith.constant 0 : i32
    %dma_start3A_153 = arith.constant 0 : i32
    %dma_start3A_154 = tpu.memref_slice %arg6[%dma_start3A_143, %dma_start3A_152, %dma_start3A_153] : memref<2x1664x16xf32, #tpu.memory_space<vmem>> -> memref<1x1664x16xf32, #tpu.memory_space<vmem>>
    %dma_start3A_155 = tpu.memref_squeeze %dma_start3A_154 : memref<1x1664x16xf32, #tpu.memory_space<vmem>> -> memref<1664x16xf32, #tpu.memory_space<vmem>>
    tpu.enqueue_dma source(%dma_start3A_155 : memref<1664x16xf32, #tpu.memory_space<vmem>>) target(%dma_start3A_151 : memref<1664x16xf32, #tpu.memory_space<hbm>>) target_semaphore(%arg9 : memref<!tpu.dma_semaphore, #tpu.memory_space<semaphore_mem>>)
    %dma_wait3A_156 = arith.constant 0 : i32
    %dma_wait3A_157 = arith.constant 0 : i32
    %dma_wait3A_158 = arith.constant 0 : i32
    %dma_wait3A_159 = tpu.memref_slice %arg6[%dma_wait3A_156, %dma_wait3A_157, %dma_wait3A_158] : memref<2x1664x16xf32, #tpu.memory_space<vmem>> -> memref<1x1664x16xf32, #tpu.memory_space<vmem>>
    %dma_wait3A_160 = tpu.memref_squeeze %dma_wait3A_159 : memref<1x1664x16xf32, #tpu.memory_space<vmem>> -> memref<1664x16xf32, #tpu.memory_space<vmem>>
    %dma_wait3A_161 = arith.constant 0 : i32
    %dma_wait3A_162 = tpu.memref_slice %arg4[%add3A_142, %dma_wait3A_161] : memref<425984x16xf32, #tpu.memory_space<hbm>> -> memref<1664x16xf32, #tpu.memory_space<hbm>>
    %dma_wait3A_163 = arith.constant 0 : i32
    %dma_wait3A_164 = tpu.memref_slice %arg4[%add3A_142, %dma_wait3A_163] : memref<425984x16xf32, #tpu.memory_space<hbm>> -> memref<1664x16xf32, #tpu.memory_space<hbm>>
    %dma_wait3A_165 = arith.constant 0 : i32
    %dma_wait3A_166 = arith.constant 0 : i32
    %dma_wait3A_167 = tpu.memref_slice %arg6[%dma_wait3A_156, %dma_wait3A_165, %dma_wait3A_166] : memref<2x1664x16xf32, #tpu.memory_space<vmem>> -> memref<1x1664x16xf32, #tpu.memory_space<vmem>>
    %dma_wait3A_168 = tpu.memref_squeeze %dma_wait3A_167 : memref<1x1664x16xf32, #tpu.memory_space<vmem>> -> memref<1664x16xf32, #tpu.memory_space<vmem>>
    tpu.wait_dma2 semaphore(%arg9 : memref<!tpu.dma_semaphore, #tpu.memory_space<semaphore_mem>>) src(%dma_wait3A_168 : memref<1664x16xf32, #tpu.memory_space<vmem>>) dst(%dma_wait3A_164 : memref<1664x16xf32, #tpu.memory_space<hbm>>)
    %dma_start3A_169 = arith.constant 4 : i32
    %dma_start3A_170 = arith.constant 0 : i32
    %dma_start3A_171 = arith.constant 0 : i32
    %dma_start3A_172 = arith.constant 0 : i32
    %dma_start3A_173 = tpu.memref_slice %arg6[%dma_start3A_170, %dma_start3A_171, %dma_start3A_172] : memref<2x1664x16xf32, #tpu.memory_space<vmem>> -> memref<1x1664x16xf32, #tpu.memory_space<vmem>>
    %dma_start3A_174 = tpu.memref_squeeze %dma_start3A_173 : memref<1x1664x16xf32, #tpu.memory_space<vmem>> -> memref<1664x16xf32, #tpu.memory_space<vmem>>
    %dma_start3A_175 = arith.constant 0 : i32
    %dma_start3A_176 = tpu.memref_slice %arg5[%dma_start3A_169, %dma_start3A_175] : memref<8x1664xi32, #tpu.memory_space<vmem>> -> memref<1x1664xi32, #tpu.memory_space<vmem>>
    %dma_start3A_177 = tpu.memref_squeeze %dma_start3A_176 : memref<1x1664xi32, #tpu.memory_space<vmem>> -> memref<1664xi32, #tpu.memory_space<vmem>>
    %dma_start3A_178 = arith.constant 0 : i32
    %dma_start3A_179 = arith.constant 0 : i32
    %dma_start3A_180 = tpu.memref_slice %arg3[%dma_start3A_178, %dma_start3A_179] : memref<2768896x16xf32, #tpu.memory_space<hbm>> -> memref<2768896x16xf32, #tpu.memory_space<hbm>>
    tpu.enqueue_indirect_dma source(%dma_start3A_180 : memref<2768896x16xf32, #tpu.memory_space<hbm>>) target(%dma_start3A_174 : memref<1664x16xf32, #tpu.memory_space<vmem>>) offsets(%dma_start3A_177 : memref<1664xi32, #tpu.memory_space<vmem>>) semaphore(%arg7 : memref<!tpu.dma_semaphore, #tpu.memory_space<semaphore_mem>>)
    %dma_wait3A_181 = arith.constant 3 : i32
    %dma_wait3A_182 = arith.constant 1 : i32
    %dma_wait3A_183 = arith.constant 0 : i32
    %dma_wait3A_184 = arith.constant 0 : i32
    %dma_wait3A_185 = tpu.memref_slice %arg6[%dma_wait3A_182, %dma_wait3A_183, %dma_wait3A_184] : memref<2x1664x16xf32, #tpu.memory_space<vmem>> -> memref<1x1664x16xf32, #tpu.memory_space<vmem>>
    %dma_wait3A_186 = tpu.memref_squeeze %dma_wait3A_185 : memref<1x1664x16xf32, #tpu.memory_space<vmem>> -> memref<1664x16xf32, #tpu.memory_space<vmem>>
    %dma_wait3A_187 = arith.constant 0 : i32
    %dma_wait3A_188 = tpu.memref_slice %arg5[%dma_wait3A_181, %dma_wait3A_187] : memref<8x1664xi32, #tpu.memory_space<vmem>> -> memref<1x1664xi32, #tpu.memory_space<vmem>>
    %dma_wait3A_189 = tpu.memref_squeeze %dma_wait3A_188 : memref<1x1664xi32, #tpu.memory_space<vmem>> -> memref<1664xi32, #tpu.memory_space<vmem>>
    %dma_wait3A_190 = arith.constant 0 : i32
    %dma_wait3A_191 = arith.constant 0 : i32
    %dma_wait3A_192 = tpu.memref_slice %arg3[%dma_wait3A_190, %dma_wait3A_191] : memref<2768896x16xf32, #tpu.memory_space<hbm>> -> memref<2768896x16xf32, #tpu.memory_space<hbm>>
    tpu.wait_indirect_dma semaphore(%arg8 : memref<!tpu.dma_semaphore, #tpu.memory_space<semaphore_mem>>) src(%dma_wait3A_192 : memref<2768896x16xf32, #tpu.memory_space<hbm>>) dst(%dma_wait3A_186 : memref<1664x16xf32, #tpu.memory_space<vmem>>)
    %add3A_193 = arith.constant 4992 : i32
    %add3A_194 = arith.addi %mul3A_2, %add3A_193 : i32
    %dma_start3A_195 = arith.constant 1 : i32
    %dma_start3A_196 = arith.constant 0 : i32
    %dma_start3A_197 = arith.constant 0 : i32
    %dma_start3A_198 = tpu.memref_slice %arg6[%dma_start3A_195, %dma_start3A_196, %dma_start3A_197] : memref<2x1664x16xf32, #tpu.memory_space<vmem>> -> memref<1x1664x16xf32, #tpu.memory_space<vmem>>
    %dma_start3A_199 = tpu.memref_squeeze %dma_start3A_198 : memref<1x1664x16xf32, #tpu.memory_space<vmem>> -> memref<1664x16xf32, #tpu.memory_space<vmem>>
    %dma_start3A_200 = arith.constant 0 : i32
    %dma_start3A_201 = tpu.memref_slice %arg4[%add3A_194, %dma_start3A_200] : memref<425984x16xf32, #tpu.memory_space<hbm>> -> memref<1664x16xf32, #tpu.memory_space<hbm>>
    %dma_start3A_202 = arith.constant 0 : i32
    %dma_start3A_203 = tpu.memref_slice %arg4[%add3A_194, %dma_start3A_202] : memref<425984x16xf32, #tpu.memory_space<hbm>> -> memref<1664x16xf32, #tpu.memory_space<hbm>>
    %dma_start3A_204 = arith.constant 0 : i32
    %dma_start3A_205 = arith.constant 0 : i32
    %dma_start3A_206 = tpu.memref_slice %arg6[%dma_start3A_195, %dma_start3A_204, %dma_start3A_205] : memref<2x1664x16xf32, #tpu.memory_space<vmem>> -> memref<1x1664x16xf32, #tpu.memory_space<vmem>>
    %dma_start3A_207 = tpu.memref_squeeze %dma_start3A_206 : memref<1x1664x16xf32, #tpu.memory_space<vmem>> -> memref<1664x16xf32, #tpu.memory_space<vmem>>
    tpu.enqueue_dma source(%dma_start3A_207 : memref<1664x16xf32, #tpu.memory_space<vmem>>) target(%dma_start3A_203 : memref<1664x16xf32, #tpu.memory_space<hbm>>) target_semaphore(%arg10 : memref<!tpu.dma_semaphore, #tpu.memory_space<semaphore_mem>>)
    %dma_wait3A_208 = arith.constant 1 : i32
    %dma_wait3A_209 = arith.constant 0 : i32
    %dma_wait3A_210 = arith.constant 0 : i32
    %dma_wait3A_211 = tpu.memref_slice %arg6[%dma_wait3A_208, %dma_wait3A_209, %dma_wait3A_210] : memref<2x1664x16xf32, #tpu.memory_space<vmem>> -> memref<1x1664x16xf32, #tpu.memory_space<vmem>>
    %dma_wait3A_212 = tpu.memref_squeeze %dma_wait3A_211 : memref<1x1664x16xf32, #tpu.memory_space<vmem>> -> memref<1664x16xf32, #tpu.memory_space<vmem>>
    %dma_wait3A_213 = arith.constant 0 : i32
    %dma_wait3A_214 = tpu.memref_slice %arg4[%add3A_194, %dma_wait3A_213] : memref<425984x16xf32, #tpu.memory_space<hbm>> -> memref<1664x16xf32, #tpu.memory_space<hbm>>
    %dma_wait3A_215 = arith.constant 0 : i32
    %dma_wait3A_216 = tpu.memref_slice %arg4[%add3A_194, %dma_wait3A_215] : memref<425984x16xf32, #tpu.memory_space<hbm>> -> memref<1664x16xf32, #tpu.memory_space<hbm>>
    %dma_wait3A_217 = arith.constant 0 : i32
    %dma_wait3A_218 = arith.constant 0 : i32
    %dma_wait3A_219 = tpu.memref_slice %arg6[%dma_wait3A_208, %dma_wait3A_217, %dma_wait3A_218] : memref<2x1664x16xf32, #tpu.memory_space<vmem>> -> memref<1x1664x16xf32, #tpu.memory_space<vmem>>
    %dma_wait3A_220 = tpu.memref_squeeze %dma_wait3A_219 : memref<1x1664x16xf32, #tpu.memory_space<vmem>> -> memref<1664x16xf32, #tpu.memory_space<vmem>>
    tpu.wait_dma2 semaphore(%arg10 : memref<!tpu.dma_semaphore, #tpu.memory_space<semaphore_mem>>) src(%dma_wait3A_220 : memref<1664x16xf32, #tpu.memory_space<vmem>>) dst(%dma_wait3A_216 : memref<1664x16xf32, #tpu.memory_space<hbm>>)
    %dma_start3A_221 = arith.constant 5 : i32
    %dma_start3A_222 = arith.constant 1 : i32
    %dma_start3A_223 = arith.constant 0 : i32
    %dma_start3A_224 = arith.constant 0 : i32
    %dma_start3A_225 = tpu.memref_slice %arg6[%dma_start3A_222, %dma_start3A_223, %dma_start3A_224] : memref<2x1664x16xf32, #tpu.memory_space<vmem>> -> memref<1x1664x16xf32, #tpu.memory_space<vmem>>
    %dma_start3A_226 = tpu.memref_squeeze %dma_start3A_225 : memref<1x1664x16xf32, #tpu.memory_space<vmem>> -> memref<1664x16xf32, #tpu.memory_space<vmem>>
    %dma_start3A_227 = arith.constant 0 : i32
    %dma_start3A_228 = tpu.memref_slice %arg5[%dma_start3A_221, %dma_start3A_227] : memref<8x1664xi32, #tpu.memory_space<vmem>> -> memref<1x1664xi32, #tpu.memory_space<vmem>>
    %dma_start3A_229 = tpu.memref_squeeze %dma_start3A_228 : memref<1x1664xi32, #tpu.memory_space<vmem>> -> memref<1664xi32, #tpu.memory_space<vmem>>
    %dma_start3A_230 = arith.constant 0 : i32
    %dma_start3A_231 = arith.constant 0 : i32
    %dma_start3A_232 = tpu.memref_slice %arg3[%dma_start3A_230, %dma_start3A_231] : memref<2768896x16xf32, #tpu.memory_space<hbm>> -> memref<2768896x16xf32, #tpu.memory_space<hbm>>
    tpu.enqueue_indirect_dma source(%dma_start3A_232 : memref<2768896x16xf32, #tpu.memory_space<hbm>>) target(%dma_start3A_226 : memref<1664x16xf32, #tpu.memory_space<vmem>>) offsets(%dma_start3A_229 : memref<1664xi32, #tpu.memory_space<vmem>>) semaphore(%arg8 : memref<!tpu.dma_semaphore, #tpu.memory_space<semaphore_mem>>)
    %dma_wait3A_233 = arith.constant 4 : i32
    %dma_wait3A_234 = arith.constant 0 : i32
    %dma_wait3A_235 = arith.constant 0 : i32
    %dma_wait3A_236 = arith.constant 0 : i32
    %dma_wait3A_237 = tpu.memref_slice %arg6[%dma_wait3A_234, %dma_wait3A_235, %dma_wait3A_236] : memref<2x1664x16xf32, #tpu.memory_space<vmem>> -> memref<1x1664x16xf32, #tpu.memory_space<vmem>>
    %dma_wait3A_238 = tpu.memref_squeeze %dma_wait3A_237 : memref<1x1664x16xf32, #tpu.memory_space<vmem>> -> memref<1664x16xf32, #tpu.memory_space<vmem>>
    %dma_wait3A_239 = arith.constant 0 : i32
    %dma_wait3A_240 = tpu.memref_slice %arg5[%dma_wait3A_233, %dma_wait3A_239] : memref<8x1664xi32, #tpu.memory_space<vmem>> -> memref<1x1664xi32, #tpu.memory_space<vmem>>
    %dma_wait3A_241 = tpu.memref_squeeze %dma_wait3A_240 : memref<1x1664xi32, #tpu.memory_space<vmem>> -> memref<1664xi32, #tpu.memory_space<vmem>>
    %dma_wait3A_242 = arith.constant 0 : i32
    %dma_wait3A_243 = arith.constant 0 : i32
    %dma_wait3A_244 = tpu.memref_slice %arg3[%dma_wait3A_242, %dma_wait3A_243] : memref<2768896x16xf32, #tpu.memory_space<hbm>> -> memref<2768896x16xf32, #tpu.memory_space<hbm>>
    tpu.wait_indirect_dma semaphore(%arg7 : memref<!tpu.dma_semaphore, #tpu.memory_space<semaphore_mem>>) src(%dma_wait3A_244 : memref<2768896x16xf32, #tpu.memory_space<hbm>>) dst(%dma_wait3A_238 : memref<1664x16xf32, #tpu.memory_space<vmem>>)
    %add3A_245 = arith.constant 6656 : i32
    %add3A_246 = arith.addi %mul3A_2, %add3A_245 : i32
    %dma_start3A_247 = arith.constant 0 : i32
    %dma_start3A_248 = arith.constant 0 : i32
    %dma_start3A_249 = arith.constant 0 : i32
    %dma_start3A_250 = tpu.memref_slice %arg6[%dma_start3A_247, %dma_start3A_248, %dma_start3A_249] : memref<2x1664x16xf32, #tpu.memory_space<vmem>> -> memref<1x1664x16xf32, #tpu.memory_space<vmem>>
    %dma_start3A_251 = tpu.memref_squeeze %dma_start3A_250 : memref<1x1664x16xf32, #tpu.memory_space<vmem>> -> memref<1664x16xf32, #tpu.memory_space<vmem>>
    %dma_start3A_252 = arith.constant 0 : i32
    %dma_start3A_253 = tpu.memref_slice %arg4[%add3A_246, %dma_start3A_252] : memref<425984x16xf32, #tpu.memory_space<hbm>> -> memref<1664x16xf32, #tpu.memory_space<hbm>>
    %dma_start3A_254 = arith.constant 0 : i32
    %dma_start3A_255 = tpu.memref_slice %arg4[%add3A_246, %dma_start3A_254] : memref<425984x16xf32, #tpu.memory_space<hbm>> -> memref<1664x16xf32, #tpu.memory_space<hbm>>
    %dma_start3A_256 = arith.constant 0 : i32
    %dma_start3A_257 = arith.constant 0 : i32
    %dma_start3A_258 = tpu.memref_slice %arg6[%dma_start3A_247, %dma_start3A_256, %dma_start3A_257] : memref<2x1664x16xf32, #tpu.memory_space<vmem>> -> memref<1x1664x16xf32, #tpu.memory_space<vmem>>
    %dma_start3A_259 = tpu.memref_squeeze %dma_start3A_258 : memref<1x1664x16xf32, #tpu.memory_space<vmem>> -> memref<1664x16xf32, #tpu.memory_space<vmem>>
    tpu.enqueue_dma source(%dma_start3A_259 : memref<1664x16xf32, #tpu.memory_space<vmem>>) target(%dma_start3A_255 : memref<1664x16xf32, #tpu.memory_space<hbm>>) target_semaphore(%arg9 : memref<!tpu.dma_semaphore, #tpu.memory_space<semaphore_mem>>)
    %dma_wait3A_260 = arith.constant 0 : i32
    %dma_wait3A_261 = arith.constant 0 : i32
    %dma_wait3A_262 = arith.constant 0 : i32
    %dma_wait3A_263 = tpu.memref_slice %arg6[%dma_wait3A_260, %dma_wait3A_261, %dma_wait3A_262] : memref<2x1664x16xf32, #tpu.memory_space<vmem>> -> memref<1x1664x16xf32, #tpu.memory_space<vmem>>
    %dma_wait3A_264 = tpu.memref_squeeze %dma_wait3A_263 : memref<1x1664x16xf32, #tpu.memory_space<vmem>> -> memref<1664x16xf32, #tpu.memory_space<vmem>>
    %dma_wait3A_265 = arith.constant 0 : i32
    %dma_wait3A_266 = tpu.memref_slice %arg4[%add3A_246, %dma_wait3A_265] : memref<425984x16xf32, #tpu.memory_space<hbm>> -> memref<1664x16xf32, #tpu.memory_space<hbm>>
    %dma_wait3A_267 = arith.constant 0 : i32
    %dma_wait3A_268 = tpu.memref_slice %arg4[%add3A_246, %dma_wait3A_267] : memref<425984x16xf32, #tpu.memory_space<hbm>> -> memref<1664x16xf32, #tpu.memory_space<hbm>>
    %dma_wait3A_269 = arith.constant 0 : i32
    %dma_wait3A_270 = arith.constant 0 : i32
    %dma_wait3A_271 = tpu.memref_slice %arg6[%dma_wait3A_260, %dma_wait3A_269, %dma_wait3A_270] : memref<2x1664x16xf32, #tpu.memory_space<vmem>> -> memref<1x1664x16xf32, #tpu.memory_space<vmem>>
    %dma_wait3A_272 = tpu.memref_squeeze %dma_wait3A_271 : memref<1x1664x16xf32, #tpu.memory_space<vmem>> -> memref<1664x16xf32, #tpu.memory_space<vmem>>
    tpu.wait_dma2 semaphore(%arg9 : memref<!tpu.dma_semaphore, #tpu.memory_space<semaphore_mem>>) src(%dma_wait3A_272 : memref<1664x16xf32, #tpu.memory_space<vmem>>) dst(%dma_wait3A_268 : memref<1664x16xf32, #tpu.memory_space<hbm>>)
    %dma_start3A_273 = arith.constant 6 : i32
    %dma_start3A_274 = arith.constant 0 : i32
    %dma_start3A_275 = arith.constant 0 : i32
    %dma_start3A_276 = arith.constant 0 : i32
    %dma_start3A_277 = tpu.memref_slice %arg6[%dma_start3A_274, %dma_start3A_275, %dma_start3A_276] : memref<2x1664x16xf32, #tpu.memory_space<vmem>> -> memref<1x1664x16xf32, #tpu.memory_space<vmem>>
    %dma_start3A_278 = tpu.memref_squeeze %dma_start3A_277 : memref<1x1664x16xf32, #tpu.memory_space<vmem>> -> memref<1664x16xf32, #tpu.memory_space<vmem>>
    %dma_start3A_279 = arith.constant 0 : i32
    %dma_start3A_280 = tpu.memref_slice %arg5[%dma_start3A_273, %dma_start3A_279] : memref<8x1664xi32, #tpu.memory_space<vmem>> -> memref<1x1664xi32, #tpu.memory_space<vmem>>
    %dma_start3A_281 = tpu.memref_squeeze %dma_start3A_280 : memref<1x1664xi32, #tpu.memory_space<vmem>> -> memref<1664xi32, #tpu.memory_space<vmem>>
    %dma_start3A_282 = arith.constant 0 : i32
    %dma_start3A_283 = arith.constant 0 : i32
    %dma_start3A_284 = tpu.memref_slice %arg3[%dma_start3A_282, %dma_start3A_283] : memref<2768896x16xf32, #tpu.memory_space<hbm>> -> memref<2768896x16xf32, #tpu.memory_space<hbm>>
    tpu.enqueue_indirect_dma source(%dma_start3A_284 : memref<2768896x16xf32, #tpu.memory_space<hbm>>) target(%dma_start3A_278 : memref<1664x16xf32, #tpu.memory_space<vmem>>) offsets(%dma_start3A_281 : memref<1664xi32, #tpu.memory_space<vmem>>) semaphore(%arg7 : memref<!tpu.dma_semaphore, #tpu.memory_space<semaphore_mem>>)
    %dma_wait3A_285 = arith.constant 5 : i32
    %dma_wait3A_286 = arith.constant 1 : i32
    %dma_wait3A_287 = arith.constant 0 : i32
    %dma_wait3A_288 = arith.constant 0 : i32
    %dma_wait3A_289 = tpu.memref_slice %arg6[%dma_wait3A_286, %dma_wait3A_287, %dma_wait3A_288] : memref<2x1664x16xf32, #tpu.memory_space<vmem>> -> memref<1x1664x16xf32, #tpu.memory_space<vmem>>
    %dma_wait3A_290 = tpu.memref_squeeze %dma_wait3A_289 : memref<1x1664x16xf32, #tpu.memory_space<vmem>> -> memref<1664x16xf32, #tpu.memory_space<vmem>>
    %dma_wait3A_291 = arith.constant 0 : i32
    %dma_wait3A_292 = tpu.memref_slice %arg5[%dma_wait3A_285, %dma_wait3A_291] : memref<8x1664xi32, #tpu.memory_space<vmem>> -> memref<1x1664xi32, #tpu.memory_space<vmem>>
    %dma_wait3A_293 = tpu.memref_squeeze %dma_wait3A_292 : memref<1x1664xi32, #tpu.memory_space<vmem>> -> memref<1664xi32, #tpu.memory_space<vmem>>
    %dma_wait3A_294 = arith.constant 0 : i32
    %dma_wait3A_295 = arith.constant 0 : i32
    %dma_wait3A_296 = tpu.memref_slice %arg3[%dma_wait3A_294, %dma_wait3A_295] : memref<2768896x16xf32, #tpu.memory_space<hbm>> -> memref<2768896x16xf32, #tpu.memory_space<hbm>>
    tpu.wait_indirect_dma semaphore(%arg8 : memref<!tpu.dma_semaphore, #tpu.memory_space<semaphore_mem>>) src(%dma_wait3A_296 : memref<2768896x16xf32, #tpu.memory_space<hbm>>) dst(%dma_wait3A_290 : memref<1664x16xf32, #tpu.memory_space<vmem>>)
    %add3A_297 = arith.constant 8320 : i32
    %add3A_298 = arith.addi %mul3A_2, %add3A_297 : i32
    %dma_start3A_299 = arith.constant 1 : i32
    %dma_start3A_300 = arith.constant 0 : i32
    %dma_start3A_301 = arith.constant 0 : i32
    %dma_start3A_302 = tpu.memref_slice %arg6[%dma_start3A_299, %dma_start3A_300, %dma_start3A_301] : memref<2x1664x16xf32, #tpu.memory_space<vmem>> -> memref<1x1664x16xf32, #tpu.memory_space<vmem>>
    %dma_start3A_303 = tpu.memref_squeeze %dma_start3A_302 : memref<1x1664x16xf32, #tpu.memory_space<vmem>> -> memref<1664x16xf32, #tpu.memory_space<vmem>>
    %dma_start3A_304 = arith.constant 0 : i32
    %dma_start3A_305 = tpu.memref_slice %arg4[%add3A_298, %dma_start3A_304] : memref<425984x16xf32, #tpu.memory_space<hbm>> -> memref<1664x16xf32, #tpu.memory_space<hbm>>
    %dma_start3A_306 = arith.constant 0 : i32
    %dma_start3A_307 = tpu.memref_slice %arg4[%add3A_298, %dma_start3A_306] : memref<425984x16xf32, #tpu.memory_space<hbm>> -> memref<1664x16xf32, #tpu.memory_space<hbm>>
    %dma_start3A_308 = arith.constant 0 : i32
    %dma_start3A_309 = arith.constant 0 : i32
    %dma_start3A_310 = tpu.memref_slice %arg6[%dma_start3A_299, %dma_start3A_308, %dma_start3A_309] : memref<2x1664x16xf32, #tpu.memory_space<vmem>> -> memref<1x1664x16xf32, #tpu.memory_space<vmem>>
    %dma_start3A_311 = tpu.memref_squeeze %dma_start3A_310 : memref<1x1664x16xf32, #tpu.memory_space<vmem>> -> memref<1664x16xf32, #tpu.memory_space<vmem>>
    tpu.enqueue_dma source(%dma_start3A_311 : memref<1664x16xf32, #tpu.memory_space<vmem>>) target(%dma_start3A_307 : memref<1664x16xf32, #tpu.memory_space<hbm>>) target_semaphore(%arg10 : memref<!tpu.dma_semaphore, #tpu.memory_space<semaphore_mem>>)
    %dma_wait3A_312 = arith.constant 1 : i32
    %dma_wait3A_313 = arith.constant 0 : i32
    %dma_wait3A_314 = arith.constant 0 : i32
    %dma_wait3A_315 = tpu.memref_slice %arg6[%dma_wait3A_312, %dma_wait3A_313, %dma_wait3A_314] : memref<2x1664x16xf32, #tpu.memory_space<vmem>> -> memref<1x1664x16xf32, #tpu.memory_space<vmem>>
    %dma_wait3A_316 = tpu.memref_squeeze %dma_wait3A_315 : memref<1x1664x16xf32, #tpu.memory_space<vmem>> -> memref<1664x16xf32, #tpu.memory_space<vmem>>
    %dma_wait3A_317 = arith.constant 0 : i32
    %dma_wait3A_318 = tpu.memref_slice %arg4[%add3A_298, %dma_wait3A_317] : memref<425984x16xf32, #tpu.memory_space<hbm>> -> memref<1664x16xf32, #tpu.memory_space<hbm>>
    %dma_wait3A_319 = arith.constant 0 : i32
    %dma_wait3A_320 = tpu.memref_slice %arg4[%add3A_298, %dma_wait3A_319] : memref<425984x16xf32, #tpu.memory_space<hbm>> -> memref<1664x16xf32, #tpu.memory_space<hbm>>
    %dma_wait3A_321 = arith.constant 0 : i32
    %dma_wait3A_322 = arith.constant 0 : i32
    %dma_wait3A_323 = tpu.memref_slice %arg6[%dma_wait3A_312, %dma_wait3A_321, %dma_wait3A_322] : memref<2x1664x16xf32, #tpu.memory_space<vmem>> -> memref<1x1664x16xf32, #tpu.memory_space<vmem>>
    %dma_wait3A_324 = tpu.memref_squeeze %dma_wait3A_323 : memref<1x1664x16xf32, #tpu.memory_space<vmem>> -> memref<1664x16xf32, #tpu.memory_space<vmem>>
    tpu.wait_dma2 semaphore(%arg10 : memref<!tpu.dma_semaphore, #tpu.memory_space<semaphore_mem>>) src(%dma_wait3A_324 : memref<1664x16xf32, #tpu.memory_space<vmem>>) dst(%dma_wait3A_320 : memref<1664x16xf32, #tpu.memory_space<hbm>>)
    %dma_start3A_325 = arith.constant 7 : i32
    %dma_start3A_326 = arith.constant 1 : i32
    %dma_start3A_327 = arith.constant 0 : i32
    %dma_start3A_328 = arith.constant 0 : i32
    %dma_start3A_329 = tpu.memref_slice %arg6[%dma_start3A_326, %dma_start3A_327, %dma_start3A_328] : memref<2x1664x16xf32, #tpu.memory_space<vmem>> -> memref<1x1664x16xf32, #tpu.memory_space<vmem>>
    %dma_start3A_330 = tpu.memref_squeeze %dma_start3A_329 : memref<1x1664x16xf32, #tpu.memory_space<vmem>> -> memref<1664x16xf32, #tpu.memory_space<vmem>>
    %dma_start3A_331 = arith.constant 0 : i32
    %dma_start3A_332 = tpu.memref_slice %arg5[%dma_start3A_325, %dma_start3A_331] : memref<8x1664xi32, #tpu.memory_space<vmem>> -> memref<1x1664xi32, #tpu.memory_space<vmem>>
    %dma_start3A_333 = tpu.memref_squeeze %dma_start3A_332 : memref<1x1664xi32, #tpu.memory_space<vmem>> -> memref<1664xi32, #tpu.memory_space<vmem>>
    %dma_start3A_334 = arith.constant 0 : i32
    %dma_start3A_335 = arith.constant 0 : i32
    %dma_start3A_336 = tpu.memref_slice %arg3[%dma_start3A_334, %dma_start3A_335] : memref<2768896x16xf32, #tpu.memory_space<hbm>> -> memref<2768896x16xf32, #tpu.memory_space<hbm>>
    tpu.enqueue_indirect_dma source(%dma_start3A_336 : memref<2768896x16xf32, #tpu.memory_space<hbm>>) target(%dma_start3A_330 : memref<1664x16xf32, #tpu.memory_space<vmem>>) offsets(%dma_start3A_333 : memref<1664xi32, #tpu.memory_space<vmem>>) semaphore(%arg8 : memref<!tpu.dma_semaphore, #tpu.memory_space<semaphore_mem>>)
    %dma_wait3A_337 = arith.constant 6 : i32
    %dma_wait3A_338 = arith.constant 0 : i32
    %dma_wait3A_339 = arith.constant 0 : i32
    %dma_wait3A_340 = arith.constant 0 : i32
    %dma_wait3A_341 = tpu.memref_slice %arg6[%dma_wait3A_338, %dma_wait3A_339, %dma_wait3A_340] : memref<2x1664x16xf32, #tpu.memory_space<vmem>> -> memref<1x1664x16xf32, #tpu.memory_space<vmem>>
    %dma_wait3A_342 = tpu.memref_squeeze %dma_wait3A_341 : memref<1x1664x16xf32, #tpu.memory_space<vmem>> -> memref<1664x16xf32, #tpu.memory_space<vmem>>
    %dma_wait3A_343 = arith.constant 0 : i32
    %dma_wait3A_344 = tpu.memref_slice %arg5[%dma_wait3A_337, %dma_wait3A_343] : memref<8x1664xi32, #tpu.memory_space<vmem>> -> memref<1x1664xi32, #tpu.memory_space<vmem>>
    %dma_wait3A_345 = tpu.memref_squeeze %dma_wait3A_344 : memref<1x1664xi32, #tpu.memory_space<vmem>> -> memref<1664xi32, #tpu.memory_space<vmem>>
    %dma_wait3A_346 = arith.constant 0 : i32
    %dma_wait3A_347 = arith.constant 0 : i32
    %dma_wait3A_348 = tpu.memref_slice %arg3[%dma_wait3A_346, %dma_wait3A_347] : memref<2768896x16xf32, #tpu.memory_space<hbm>> -> memref<2768896x16xf32, #tpu.memory_space<hbm>>
    tpu.wait_indirect_dma semaphore(%arg7 : memref<!tpu.dma_semaphore, #tpu.memory_space<semaphore_mem>>) src(%dma_wait3A_348 : memref<2768896x16xf32, #tpu.memory_space<hbm>>) dst(%dma_wait3A_342 : memref<1664x16xf32, #tpu.memory_space<vmem>>)
    %add3A_349 = arith.constant 9984 : i32
    %add3A_350 = arith.addi %mul3A_2, %add3A_349 : i32
    %dma_start3A_351 = arith.constant 0 : i32
    %dma_start3A_352 = arith.constant 0 : i32
    %dma_start3A_353 = arith.constant 0 : i32
    %dma_start3A_354 = tpu.memref_slice %arg6[%dma_start3A_351, %dma_start3A_352, %dma_start3A_353] : memref<2x1664x16xf32, #tpu.memory_space<vmem>> -> memref<1x1664x16xf32, #tpu.memory_space<vmem>>
    %dma_start3A_355 = tpu.memref_squeeze %dma_start3A_354 : memref<1x1664x16xf32, #tpu.memory_space<vmem>> -> memref<1664x16xf32, #tpu.memory_space<vmem>>
    %dma_start3A_356 = arith.constant 0 : i32
    %dma_start3A_357 = tpu.memref_slice %arg4[%add3A_350, %dma_start3A_356] : memref<425984x16xf32, #tpu.memory_space<hbm>> -> memref<1664x16xf32, #tpu.memory_space<hbm>>
    %dma_start3A_358 = arith.constant 0 : i32
    %dma_start3A_359 = tpu.memref_slice %arg4[%add3A_350, %dma_start3A_358] : memref<425984x16xf32, #tpu.memory_space<hbm>> -> memref<1664x16xf32, #tpu.memory_space<hbm>>
    %dma_start3A_360 = arith.constant 0 : i32
    %dma_start3A_361 = arith.constant 0 : i32
    %dma_start3A_362 = tpu.memref_slice %arg6[%dma_start3A_351, %dma_start3A_360, %dma_start3A_361] : memref<2x1664x16xf32, #tpu.memory_space<vmem>> -> memref<1x1664x16xf32, #tpu.memory_space<vmem>>
    %dma_start3A_363 = tpu.memref_squeeze %dma_start3A_362 : memref<1x1664x16xf32, #tpu.memory_space<vmem>> -> memref<1664x16xf32, #tpu.memory_space<vmem>>
    tpu.enqueue_dma source(%dma_start3A_363 : memref<1664x16xf32, #tpu.memory_space<vmem>>) target(%dma_start3A_359 : memref<1664x16xf32, #tpu.memory_space<hbm>>) target_semaphore(%arg9 : memref<!tpu.dma_semaphore, #tpu.memory_space<semaphore_mem>>)
    %dma_wait3A_364 = arith.constant 7 : i32
    %dma_wait3A_365 = arith.constant 1 : i32
    %dma_wait3A_366 = arith.constant 0 : i32
    %dma_wait3A_367 = arith.constant 0 : i32
    %dma_wait3A_368 = tpu.memref_slice %arg6[%dma_wait3A_365, %dma_wait3A_366, %dma_wait3A_367] : memref<2x1664x16xf32, #tpu.memory_space<vmem>> -> memref<1x1664x16xf32, #tpu.memory_space<vmem>>
    %dma_wait3A_369 = tpu.memref_squeeze %dma_wait3A_368 : memref<1x1664x16xf32, #tpu.memory_space<vmem>> -> memref<1664x16xf32, #tpu.memory_space<vmem>>
    %dma_wait3A_370 = arith.constant 0 : i32
    %dma_wait3A_371 = tpu.memref_slice %arg5[%dma_wait3A_364, %dma_wait3A_370] : memref<8x1664xi32, #tpu.memory_space<vmem>> -> memref<1x1664xi32, #tpu.memory_space<vmem>>
    %dma_wait3A_372 = tpu.memref_squeeze %dma_wait3A_371 : memref<1x1664xi32, #tpu.memory_space<vmem>> -> memref<1664xi32, #tpu.memory_space<vmem>>
    %dma_wait3A_373 = arith.constant 0 : i32
    %dma_wait3A_374 = arith.constant 0 : i32
    %dma_wait3A_375 = tpu.memref_slice %arg3[%dma_wait3A_373, %dma_wait3A_374] : memref<2768896x16xf32, #tpu.memory_space<hbm>> -> memref<2768896x16xf32, #tpu.memory_space<hbm>>
    tpu.wait_indirect_dma semaphore(%arg8 : memref<!tpu.dma_semaphore, #tpu.memory_space<semaphore_mem>>) src(%dma_wait3A_375 : memref<2768896x16xf32, #tpu.memory_space<hbm>>) dst(%dma_wait3A_369 : memref<1664x16xf32, #tpu.memory_space<vmem>>)
    %add3A_376 = arith.constant 11648 : i32
    %add3A_377 = arith.addi %mul3A_2, %add3A_376 : i32
    %dma_start3A_378 = arith.constant 1 : i32
    %dma_start3A_379 = arith.constant 0 : i32
    %dma_start3A_380 = arith.constant 0 : i32
    %dma_start3A_381 = tpu.memref_slice %arg6[%dma_start3A_378, %dma_start3A_379, %dma_start3A_380] : memref<2x1664x16xf32, #tpu.memory_space<vmem>> -> memref<1x1664x16xf32, #tpu.memory_space<vmem>>
    %dma_start3A_382 = tpu.memref_squeeze %dma_start3A_381 : memref<1x1664x16xf32, #tpu.memory_space<vmem>> -> memref<1664x16xf32, #tpu.memory_space<vmem>>
    %dma_start3A_383 = arith.constant 0 : i32
    %dma_start3A_384 = tpu.memref_slice %arg4[%add3A_377, %dma_start3A_383] : memref<425984x16xf32, #tpu.memory_space<hbm>> -> memref<1664x16xf32, #tpu.memory_space<hbm>>
    %dma_start3A_385 = arith.constant 0 : i32
    %dma_start3A_386 = tpu.memref_slice %arg4[%add3A_377, %dma_start3A_385] : memref<425984x16xf32, #tpu.memory_space<hbm>> -> memref<1664x16xf32, #tpu.memory_space<hbm>>
    %dma_start3A_387 = arith.constant 0 : i32
    %dma_start3A_388 = arith.constant 0 : i32
    %dma_start3A_389 = tpu.memref_slice %arg6[%dma_start3A_378, %dma_start3A_387, %dma_start3A_388] : memref<2x1664x16xf32, #tpu.memory_space<vmem>> -> memref<1x1664x16xf32, #tpu.memory_space<vmem>>
    %dma_start3A_390 = tpu.memref_squeeze %dma_start3A_389 : memref<1x1664x16xf32, #tpu.memory_space<vmem>> -> memref<1664x16xf32, #tpu.memory_space<vmem>>
    tpu.enqueue_dma source(%dma_start3A_390 : memref<1664x16xf32, #tpu.memory_space<vmem>>) target(%dma_start3A_386 : memref<1664x16xf32, #tpu.memory_space<hbm>>) target_semaphore(%arg10 : memref<!tpu.dma_semaphore, #tpu.memory_space<semaphore_mem>>)
    %dma_wait3A_391 = arith.constant 0 : i32
    %dma_wait3A_392 = arith.constant 0 : i32
    %dma_wait3A_393 = arith.constant 0 : i32
    %dma_wait3A_394 = tpu.memref_slice %arg6[%dma_wait3A_391, %dma_wait3A_392, %dma_wait3A_393] : memref<2x1664x16xf32, #tpu.memory_space<vmem>> -> memref<1x1664x16xf32, #tpu.memory_space<vmem>>
    %dma_wait3A_395 = tpu.memref_squeeze %dma_wait3A_394 : memref<1x1664x16xf32, #tpu.memory_space<vmem>> -> memref<1664x16xf32, #tpu.memory_space<vmem>>
    %dma_wait3A_396 = arith.constant 0 : i32
    %dma_wait3A_397 = tpu.memref_slice %arg4[%add3A_350, %dma_wait3A_396] : memref<425984x16xf32, #tpu.memory_space<hbm>> -> memref<1664x16xf32, #tpu.memory_space<hbm>>
    %dma_wait3A_398 = arith.constant 0 : i32
    %dma_wait3A_399 = tpu.memref_slice %arg4[%add3A_350, %dma_wait3A_398] : memref<425984x16xf32, #tpu.memory_space<hbm>> -> memref<1664x16xf32, #tpu.memory_space<hbm>>
    %dma_wait3A_400 = arith.constant 0 : i32
    %dma_wait3A_401 = arith.constant 0 : i32
    %dma_wait3A_402 = tpu.memref_slice %arg6[%dma_wait3A_391, %dma_wait3A_400, %dma_wait3A_401] : memref<2x1664x16xf32, #tpu.memory_space<vmem>> -> memref<1x1664x16xf32, #tpu.memory_space<vmem>>
    %dma_wait3A_403 = tpu.memref_squeeze %dma_wait3A_402 : memref<1x1664x16xf32, #tpu.memory_space<vmem>> -> memref<1664x16xf32, #tpu.memory_space<vmem>>
    tpu.wait_dma2 semaphore(%arg9 : memref<!tpu.dma_semaphore, #tpu.memory_space<semaphore_mem>>) src(%dma_wait3A_403 : memref<1664x16xf32, #tpu.memory_space<vmem>>) dst(%dma_wait3A_399 : memref<1664x16xf32, #tpu.memory_space<hbm>>)
    %dma_wait3A_404 = arith.constant 1 : i32
    %dma_wait3A_405 = arith.constant 0 : i32
    %dma_wait3A_406 = arith.constant 0 : i32
    %dma_wait3A_407 = tpu.memref_slice %arg6[%dma_wait3A_404, %dma_wait3A_405, %dma_wait3A_406] : memref<2x1664x16xf32, #tpu.memory_space<vmem>> -> memref<1x1664x16xf32, #tpu.memory_space<vmem>>
    %dma_wait3A_408 = tpu.memref_squeeze %dma_wait3A_407 : memref<1x1664x16xf32, #tpu.memory_space<vmem>> -> memref<1664x16xf32, #tpu.memory_space<vmem>>
    %dma_wait3A_409 = arith.constant 0 : i32
    %dma_wait3A_410 = tpu.memref_slice %arg4[%add3A_377, %dma_wait3A_409] : memref<425984x16xf32, #tpu.memory_space<hbm>> -> memref<1664x16xf32, #tpu.memory_space<hbm>>
    %dma_wait3A_411 = arith.constant 0 : i32
    %dma_wait3A_412 = tpu.memref_slice %arg4[%add3A_377, %dma_wait3A_411] : memref<425984x16xf32, #tpu.memory_space<hbm>> -> memref<1664x16xf32, #tpu.memory_space<hbm>>
    %dma_wait3A_413 = arith.constant 0 : i32
    %dma_wait3A_414 = arith.constant 0 : i32
    %dma_wait3A_415 = tpu.memref_slice %arg6[%dma_wait3A_404, %dma_wait3A_413, %dma_wait3A_414] : memref<2x1664x16xf32, #tpu.memory_space<vmem>> -> memref<1x1664x16xf32, #tpu.memory_space<vmem>>
    %dma_wait3A_416 = tpu.memref_squeeze %dma_wait3A_415 : memref<1x1664x16xf32, #tpu.memory_space<vmem>> -> memref<1664x16xf32, #tpu.memory_space<vmem>>
    tpu.wait_dma2 semaphore(%arg10 : memref<!tpu.dma_semaphore, #tpu.memory_space<semaphore_mem>>) src(%dma_wait3A_416 : memref<1664x16xf32, #tpu.memory_space<vmem>>) dst(%dma_wait3A_412 : memref<1664x16xf32, #tpu.memory_space<hbm>>)
    return
  }
}

module attributes {stable_mosaic.version = 14 : i64} {
  func.func @_fold_body(%arg0: i32, %arg1: i32, %arg2: memref<1x16x8192xf32, #tpu.memory_space<vmem>>, %arg3: memref<1x1024x128xf32, #tpu.memory_space<vmem>>) attributes {dimension_semantics = [#tpu.dimension_semantics<parallel>, #tpu.dimension_semantics<parallel>], iteration_bounds = array<i64: 26, 13>, scalar_prefetch = 0 : i64, scratch_operands = 0 : i64, tpu.core_type = #tpu.core_type<tc>, window_params = [{transform_indices = @transform_0, window_bounds = array<i64: 1, 16, 8192>}, {transform_indices = @transform_1, window_bounds = array<i64: 1, 1024, 128>}]} {
    %get3A = arith.constant 0 : index
    %get3A_0 = arith.constant 0 : index
    %get3A_1 = arith.constant 0 : index
    %get3A_2 = vector.load %arg2[%get3A, %get3A_0, %get3A_1] : memref<1x16x8192xf32, #tpu.memory_space<vmem>>, vector<1x16x8192xf32>
    %get3A_3 = vector.shape_cast %get3A_2 : vector<1x16x8192xf32> to vector<16x8192xf32>
    %slice3A = vector.extract_strided_slice %get3A_3 {offsets = [0, 0], sizes = [16, 1024], strides = [1, 1]} : vector<16x8192xf32> to vector<16x1024xf32>
    %slice3A_4 = vector.extract_strided_slice %get3A_3 {offsets = [0, 1024], sizes = [16, 1024], strides = [1, 1]} : vector<16x8192xf32> to vector<16x1024xf32>
    %slice3A_5 = vector.extract_strided_slice %get3A_3 {offsets = [0, 2048], sizes = [16, 1024], strides = [1, 1]} : vector<16x8192xf32> to vector<16x1024xf32>
    %slice3A_6 = vector.extract_strided_slice %get3A_3 {offsets = [0, 3072], sizes = [16, 1024], strides = [1, 1]} : vector<16x8192xf32> to vector<16x1024xf32>
    %slice3A_7 = vector.extract_strided_slice %get3A_3 {offsets = [0, 4096], sizes = [16, 1024], strides = [1, 1]} : vector<16x8192xf32> to vector<16x1024xf32>
    %slice3A_8 = vector.extract_strided_slice %get3A_3 {offsets = [0, 5120], sizes = [16, 1024], strides = [1, 1]} : vector<16x8192xf32> to vector<16x1024xf32>
    %slice3A_9 = vector.extract_strided_slice %get3A_3 {offsets = [0, 6144], sizes = [16, 1024], strides = [1, 1]} : vector<16x8192xf32> to vector<16x1024xf32>
    %slice3A_10 = vector.extract_strided_slice %get3A_3 {offsets = [0, 7168], sizes = [16, 1024], strides = [1, 1]} : vector<16x8192xf32> to vector<16x1024xf32>
    %concatenate3A = tpu.concatenate %slice3A, %slice3A_4, %slice3A_5, %slice3A_6, %slice3A_7, %slice3A_8, %slice3A_9, %slice3A_10 in 0 : vector<16x1024xf32>, vector<16x1024xf32>, vector<16x1024xf32>, vector<16x1024xf32>, vector<16x1024xf32>, vector<16x1024xf32>, vector<16x1024xf32>, vector<16x1024xf32> -> vector<128x1024xf32>
    %transpose3A = tpu.transpose %concatenate3A, [1, 0] : vector<128x1024xf32> -> vector<1024x128xf32>
    %swap3A = arith.constant 0 : index
    %swap3A_11 = arith.constant 0 : index
    %swap3A_12 = arith.constant 0 : index
    %swap3A_13 = vector.load %arg3[%swap3A, %swap3A_11, %swap3A_12] : memref<1x1024x128xf32, #tpu.memory_space<vmem>>, vector<1x1024x128xf32>
    %swap3A_14 = vector.shape_cast %swap3A_13 : vector<1x1024x128xf32> to vector<1024x128xf32>
    %swap3A_15 = vector.shape_cast %transpose3A : vector<1024x128xf32> to vector<1x1024x128xf32>
    tpu.vector_store %arg3[%swap3A, %swap3A_11, %swap3A_12], %swap3A_15 {strides = array<i32>} : memref<1x1024x128xf32, #tpu.memory_space<vmem>>, vector<1x1024x128xf32>,
    return
  }
  func.func @transform_0(%arg0: i32, %arg1: i32) -> (i32, i32, i32) {
    %c0_i32 = arith.constant 0 : i32
    %c0_i32_0 = arith.constant 0 : i32
    return %arg0, %c0_i32, %arg1 : i32, i32, i32
  }
  func.func @transform_1(%arg0: i32, %arg1: i32) -> (i32, i32, i32) {
    %c0_i32 = arith.constant 0 : i32
    %c0_i32_0 = arith.constant 0 : i32
    return %arg0, %arg1, %c0_i32 : i32, i32, i32
  }
}

module attributes {stable_mosaic.version = 14 : i64} {
  func.func @_dense_body(%arg0: i32, %arg1: memref<1024x13xf32, #tpu.memory_space<vmem>>, %arg2: memref<1024x416xf32, #tpu.memory_space<vmem>>, %arg3: memref<1x208xf32, #tpu.memory_space<vmem>>, %arg4: memref<13x1xf32, #tpu.memory_space<vmem>>, %arg5: memref<624x400xf32, #tpu.memory_space<vmem>>, %arg6: memref<1x400xf32, #tpu.memory_space<vmem>>, %arg7: memref<400x400xf32, #tpu.memory_space<vmem>>, %arg8: memref<1x400xf32, #tpu.memory_space<vmem>>, %arg9: memref<400x400xf32, #tpu.memory_space<vmem>>, %arg10: memref<1x400xf32, #tpu.memory_space<vmem>>, %arg11: memref<400x1xf32, #tpu.memory_space<vmem>>, %arg12: memref<1x4xf32, #tpu.memory_space<smem>>, %arg13: memref<1024x1xf32, #tpu.memory_space<vmem>>) attributes {dimension_semantics = [#tpu.dimension_semantics<arbitrary>], iteration_bounds = array<i64: 16>, scalar_prefetch = 0 : i64, scratch_operands = 0 : i64, tpu.core_type = #tpu.core_type<tc>, window_params = [{transform_indices = @transform_0, window_bounds = array<i64: 1024, 13>}, {transform_indices = @transform_1, window_bounds = array<i64: 1024, 416>}, {pipeline_mode = #tpu.pipeline_mode<synchronous>, transform_indices = @transform_2, window_bounds = array<i64: 1, 208>}, {pipeline_mode = #tpu.pipeline_mode<synchronous>, transform_indices = @transform_3, window_bounds = array<i64: 13, 1>}, {pipeline_mode = #tpu.pipeline_mode<synchronous>, transform_indices = @transform_4, window_bounds = array<i64: 624, 400>}, {pipeline_mode = #tpu.pipeline_mode<synchronous>, transform_indices = @transform_5, window_bounds = array<i64: 1, 400>}, {pipeline_mode = #tpu.pipeline_mode<synchronous>, transform_indices = @transform_6, window_bounds = array<i64: 400, 400>}, {pipeline_mode = #tpu.pipeline_mode<synchronous>, transform_indices = @transform_7, window_bounds = array<i64: 1, 400>}, {pipeline_mode = #tpu.pipeline_mode<synchronous>, transform_indices = @transform_8, window_bounds = array<i64: 400, 400>}, {pipeline_mode = #tpu.pipeline_mode<synchronous>, transform_indices = @transform_9, window_bounds = array<i64: 1, 400>}, {pipeline_mode = #tpu.pipeline_mode<synchronous>, transform_indices = @transform_10, window_bounds = array<i64: 400, 1>}, {transform_indices = @transform_11, window_bounds = array<i64: 1, 4>}, {transform_indices = @transform_12, window_bounds = array<i64: 1024, 1>}]} {
    %get3A = arith.constant 0 : index
    %get3A_0 = arith.constant 0 : index
    %get3A_1 = vector.load %arg1[%get3A, %get3A_0] : memref<1024x13xf32, #tpu.memory_space<vmem>>, vector<1024x13xf32>
    %get3A_2 = arith.constant 0 : index
    %get3A_3 = arith.constant 0 : index
    %get3A_4 = vector.load %arg2[%get3A_2, %get3A_3] : memref<1024x416xf32, #tpu.memory_space<vmem>>, vector<1024x416xf32>
    %iota3A = tpu.iota {dimensions = array<i32: 1>} : vector<13x208xi32>
    %jit3A = arith.constant 16 : i32
    %div3A = vector.broadcast %jit3A : i32 to vector<13x208xi32>
    %div3A_5 = arith.divsi %iota3A, %div3A : vector<13x208xi32>
    %sign3A = arith.constant 0 : i32
    %sign3A_6 = vector.broadcast %sign3A : i32 to vector<13x208xi32>
    %sign3A_7 = arith.cmpi sgt, %iota3A, %sign3A_6 : vector<13x208xi32>
    %sign3A_8 = arith.extui %sign3A_7 : vector<13x208xi1> to vector<13x208xi32>
    %sign3A_9 = arith.constant 0 : i32
    %sign3A_10 = vector.broadcast %sign3A_9 : i32 to vector<13x208xi32>
    %sign3A_11 = arith.cmpi slt, %iota3A, %sign3A_10 : vector<13x208xi32>
    %sign3A_12 = arith.extui %sign3A_11 : vector<13x208xi1> to vector<13x208xi32>
    %sign3A_13 = arith.subi %sign3A_8, %sign3A_12 : vector<13x208xi32>
    %sign3A_14 = arith.constant 0 : i32
    %sign3A_15 = arith.cmpi sgt, %jit3A, %sign3A_14 : i32
    %sign3A_16 = arith.extui %sign3A_15 : i1 to i32
    %sign3A_17 = arith.constant 0 : i32
    %sign3A_18 = arith.cmpi slt, %jit3A, %sign3A_17 : i32
    %sign3A_19 = arith.extui %sign3A_18 : i1 to i32
    %sign3A_20 = arith.subi %sign3A_16, %sign3A_19 : i32
    %ne3A = vector.broadcast %sign3A_20 : i32 to vector<13x208xi32>
    %ne3A_21 = arith.cmpi ne, %sign3A_13, %ne3A : vector<13x208xi32>
    %rem3A = vector.broadcast %jit3A : i32 to vector<13x208xi32>
    %rem3A_22 = arith.remsi %iota3A, %rem3A : vector<13x208xi32>
    %ne3A_23 = arith.constant 0 : i32
    %ne3A_24 = vector.broadcast %ne3A_23 : i32 to vector<13x208xi32>
    %ne3A_25 = arith.cmpi ne, %rem3A_22, %ne3A_24 : vector<13x208xi32>
    %and3A = arith.andi %ne3A_21, %ne3A_25 : vector<13x208xi1>
    %sub3A = arith.constant 1 : i32
    %sub3A_26 = vector.broadcast %sub3A : i32 to vector<13x208xi32>
    %sub3A_27 = arith.subi %div3A_5, %sub3A_26 : vector<13x208xi32>
    %select_n3A = arith.select %and3A, %sub3A_27, %div3A_5 : vector<13x208xi1>, vector<13x208xi32>
    %iota3A_28 = tpu.iota {dimensions = array<i32: 0>} : vector<13x208xi32>
    %eq3A = arith.cmpi eq, %select_n3A, %iota3A_28 : vector<13x208xi32>
    %convert_element_type3A = arith.extui %eq3A : vector<13x208xi1> to vector<13x208xi32>
    %convert_element_type3A_29 = arith.sitofp %convert_element_type3A : vector<13x208xi32> to vector<13x208xf32>
    %dot_general3A = arith.constant dense<0.000000e+00> : vector<1024x208xf32>
    %dot_general3A_30 = tpu.matmul %get3A_1, %convert_element_type3A_29, %dot_general3A {dimension_numbers = #tpu.dot_dimension_numbers<[1], [0], [0], [1], [0, 0, 1, 1], [], []>, transpose_lhs_hint = false} : vector<1024x13xf32>, vector<13x208xf32>, vector<1024x208xf32> -> vector<1024x208xf32>
    %get3A_31 = arith.constant 0 : index
    %get3A_32 = arith.constant 0 : index
    %get3A_33 = vector.load %arg3[%get3A_31, %get3A_32] : memref<1x208xf32, #tpu.memory_space<vmem>>, vector<1x208xf32>
    %mul3A = vector.broadcast %get3A_33 : vector<1x208xf32> to vector<1024x208xf32>
    %mul3A_34 = arith.mulf %dot_general3A_30, %mul3A : vector<1024x208xf32>
    %get3A_35 = arith.constant 0 : index
    %get3A_36 = arith.constant 0 : index
    %get3A_37 = vector.load %arg4[%get3A_35, %get3A_36] : memref<13x1xf32, #tpu.memory_space<vmem>>, vector<13x1xf32>
    %dot_general3A_38 = arith.constant dense<0.000000e+00> : vector<1024x1xf32>
    %dot_general3A_39 = tpu.matmul %get3A_1, %get3A_37, %dot_general3A_38 {dimension_numbers = #tpu.dot_dimension_numbers<[1], [0], [0], [1], [0, 0, 1, 1], [], []>, transpose_lhs_hint = false} : vector<1024x13xf32>, vector<13x1xf32>, vector<1024x1xf32> -> vector<1024x1xf32>
    %get3A_40 = arith.constant 0 : index
    %get3A_41 = arith.constant 0 : index
    %get3A_42 = memref.load %arg12[%get3A_40, %get3A_41] : memref<1x4xf32, #tpu.memory_space<smem>>
    %add3A = vector.broadcast %get3A_42 : f32 to vector<1024x1xf32>
    %add3A_43 = arith.addf %dot_general3A_39, %add3A : vector<1024x1xf32>
    %reduce_sum3A = arith.constant dense<0.000000e+00> : vector<1024xf32>
    %reduce_sum3A_44 = vector.multi_reduction <add>, %mul3A_34, %reduce_sum3A [1] : vector<1024x208xf32> to vector<1024xf32>
    %broadcast_in_dim3A = vector.shape_cast %reduce_sum3A_44 : vector<1024xf32> to vector<1024x1xf32>
    %reduce_sum3A_45 = arith.constant dense<0.000000e+00> : vector<1024xf32>
    %reduce_sum3A_46 = vector.multi_reduction <add>, %get3A_4, %reduce_sum3A_45 [1] : vector<1024x416xf32> to vector<1024xf32>
    %broadcast_in_dim3A_47 = vector.shape_cast %reduce_sum3A_46 : vector<1024xf32> to vector<1024x1xf32>
    %add3A_48 = arith.addf %broadcast_in_dim3A, %broadcast_in_dim3A_47 : vector<1024x1xf32>
    %mul3A_49 = arith.mulf %mul3A_34, %mul3A_34 : vector<1024x208xf32>
    %reduce_sum3A_50 = arith.constant dense<0.000000e+00> : vector<1024xf32>
    %reduce_sum3A_51 = vector.multi_reduction <add>, %mul3A_49, %reduce_sum3A_50 [1] : vector<1024x208xf32> to vector<1024xf32>
    %broadcast_in_dim3A_52 = vector.shape_cast %reduce_sum3A_51 : vector<1024xf32> to vector<1024x1xf32>
    %mul3A_53 = arith.mulf %get3A_4, %get3A_4 : vector<1024x416xf32>
    %reduce_sum3A_54 = arith.constant dense<0.000000e+00> : vector<1024xf32>
    %reduce_sum3A_55 = vector.multi_reduction <add>, %mul3A_53, %reduce_sum3A_54 [1] : vector<1024x416xf32> to vector<1024xf32>
    %broadcast_in_dim3A_56 = vector.shape_cast %reduce_sum3A_55 : vector<1024xf32> to vector<1024x1xf32>
    %add3A_57 = arith.addf %broadcast_in_dim3A_52, %broadcast_in_dim3A_56 : vector<1024x1xf32>
    %mul3A_58 = arith.mulf %add3A_48, %add3A_48 : vector<1024x1xf32>
    %sub3A_59 = arith.subf %mul3A_58, %add3A_57 : vector<1024x1xf32>
    %mul3A_60 = arith.constant 5.000000e-01 : f32
    %mul3A_61 = vector.broadcast %mul3A_60 : f32 to vector<1024x1xf32>
    %mul3A_62 = arith.mulf %mul3A_61, %sub3A_59 : vector<1024x1xf32>
    %get3A_63 = arith.constant 0 : index
    %get3A_64 = arith.constant 0 : index
    %get3A_65 = vector.load %arg5[%get3A_63, %get3A_64] : memref<624x400xf32, #tpu.memory_space<vmem>>, vector<208x400xf32>
    %dot_general3A_66 = arith.constant dense<0.000000e+00> : vector<1024x400xf32>
    %dot_general3A_67 = tpu.matmul %mul3A_34, %get3A_65, %dot_general3A_66 {dimension_numbers = #tpu.dot_dimension_numbers<[1], [0], [0], [1], [0, 0, 1, 1], [], []>, transpose_lhs_hint = false} : vector<1024x208xf32>, vector<208x400xf32>, vector<1024x400xf32> -> vector<1024x400xf32>
    %get3A_68 = arith.constant 208 : index
    %get3A_69 = arith.constant 0 : index
    %get3A_70 = vector.load %arg5[%get3A_68, %get3A_69] : memref<624x400xf32, #tpu.memory_space<vmem>>, vector<416x400xf32>
    %dot_general3A_71 = arith.constant dense<0.000000e+00> : vector<1024x400xf32>
    %dot_general3A_72 = tpu.matmul %get3A_4, %get3A_70, %dot_general3A_71 {dimension_numbers = #tpu.dot_dimension_numbers<[1], [0], [0], [1], [0, 0, 1, 1], [], []>, transpose_lhs_hint = false} : vector<1024x416xf32>, vector<416x400xf32>, vector<1024x400xf32> -> vector<1024x400xf32>
    %add3A_73 = arith.addf %dot_general3A_67, %dot_general3A_72 : vector<1024x400xf32>
    %get3A_74 = arith.constant 0 : index
    %get3A_75 = arith.constant 0 : index
    %get3A_76 = vector.load %arg6[%get3A_74, %get3A_75] : memref<1x400xf32, #tpu.memory_space<vmem>>, vector<1x400xf32>
    %add3A_77 = vector.broadcast %get3A_76 : vector<1x400xf32> to vector<1024x400xf32>
    %add3A_78 = arith.addf %add3A_73, %add3A_77 : vector<1024x400xf32>
    %max3A = arith.constant 0.000000e+00 : f32
    %max3A_79 = vector.broadcast %max3A : f32 to vector<1024x400xf32>
    %max3A_80 = arith.maximumf %add3A_78, %max3A_79 : vector<1024x400xf32>
    %get3A_81 = arith.constant 0 : index
    %get3A_82 = arith.constant 0 : index
    %get3A_83 = vector.load %arg7[%get3A_81, %get3A_82] : memref<400x400xf32, #tpu.memory_space<vmem>>, vector<400x400xf32>
    %dot_general3A_84 = arith.constant dense<0.000000e+00> : vector<1024x400xf32>
    %dot_general3A_85 = tpu.matmul %max3A_80, %get3A_83, %dot_general3A_84 {dimension_numbers = #tpu.dot_dimension_numbers<[1], [0], [0], [1], [0, 0, 1, 1], [], []>, transpose_lhs_hint = false} : vector<1024x400xf32>, vector<400x400xf32>, vector<1024x400xf32> -> vector<1024x400xf32>
    %get3A_86 = arith.constant 0 : index
    %get3A_87 = arith.constant 0 : index
    %get3A_88 = vector.load %arg8[%get3A_86, %get3A_87] : memref<1x400xf32, #tpu.memory_space<vmem>>, vector<1x400xf32>
    %add3A_89 = vector.broadcast %get3A_88 : vector<1x400xf32> to vector<1024x400xf32>
    %add3A_90 = arith.addf %dot_general3A_85, %add3A_89 : vector<1024x400xf32>
    %max3A_91 = arith.constant 0.000000e+00 : f32
    %max3A_92 = vector.broadcast %max3A_91 : f32 to vector<1024x400xf32>
    %max3A_93 = arith.maximumf %add3A_90, %max3A_92 : vector<1024x400xf32>
    %get3A_94 = arith.constant 0 : index
    %get3A_95 = arith.constant 0 : index
    %get3A_96 = vector.load %arg9[%get3A_94, %get3A_95] : memref<400x400xf32, #tpu.memory_space<vmem>>, vector<400x400xf32>
    %dot_general3A_97 = arith.constant dense<0.000000e+00> : vector<1024x400xf32>
    %dot_general3A_98 = tpu.matmul %max3A_93, %get3A_96, %dot_general3A_97 {dimension_numbers = #tpu.dot_dimension_numbers<[1], [0], [0], [1], [0, 0, 1, 1], [], []>, transpose_lhs_hint = false} : vector<1024x400xf32>, vector<400x400xf32>, vector<1024x400xf32> -> vector<1024x400xf32>
    %get3A_99 = arith.constant 0 : index
    %get3A_100 = arith.constant 0 : index
    %get3A_101 = vector.load %arg10[%get3A_99, %get3A_100] : memref<1x400xf32, #tpu.memory_space<vmem>>, vector<1x400xf32>
    %add3A_102 = vector.broadcast %get3A_101 : vector<1x400xf32> to vector<1024x400xf32>
    %add3A_103 = arith.addf %dot_general3A_98, %add3A_102 : vector<1024x400xf32>
    %max3A_104 = arith.constant 0.000000e+00 : f32
    %max3A_105 = vector.broadcast %max3A_104 : f32 to vector<1024x400xf32>
    %max3A_106 = arith.maximumf %add3A_103, %max3A_105 : vector<1024x400xf32>
    %get3A_107 = arith.constant 0 : index
    %get3A_108 = arith.constant 1 : index
    %get3A_109 = memref.load %arg12[%get3A_107, %get3A_108] : memref<1x4xf32, #tpu.memory_space<smem>>
    %mul3A_110 = vector.broadcast %get3A_109 : f32 to vector<1024x1xf32>
    %mul3A_111 = arith.mulf %add3A_43, %mul3A_110 : vector<1024x1xf32>
    %get3A_112 = arith.constant 0 : index
    %get3A_113 = arith.constant 2 : index
    %get3A_114 = memref.load %arg12[%get3A_112, %get3A_113] : memref<1x4xf32, #tpu.memory_space<smem>>
    %mul3A_115 = vector.broadcast %get3A_114 : f32 to vector<1024x1xf32>
    %mul3A_116 = arith.mulf %mul3A_62, %mul3A_115 : vector<1024x1xf32>
    %add3A_117 = arith.addf %mul3A_111, %mul3A_116 : vector<1024x1xf32>
    %get3A_118 = arith.constant 0 : index
    %get3A_119 = arith.constant 0 : index
    %get3A_120 = vector.load %arg11[%get3A_118, %get3A_119] : memref<400x1xf32, #tpu.memory_space<vmem>>, vector<400x1xf32>
    %dot_general3A_121 = arith.constant dense<0.000000e+00> : vector<1024x1xf32>
    %dot_general3A_122 = tpu.matmul %max3A_106, %get3A_120, %dot_general3A_121 {dimension_numbers = #tpu.dot_dimension_numbers<[1], [0], [0], [1], [0, 0, 1, 1], [], []>, transpose_lhs_hint = false} : vector<1024x400xf32>, vector<400x1xf32>, vector<1024x1xf32> -> vector<1024x1xf32>
    %add3A_123 = arith.addf %add3A_117, %dot_general3A_122 : vector<1024x1xf32>
    %get3A_124 = arith.constant 0 : index
    %get3A_125 = arith.constant 3 : index
    %get3A_126 = memref.load %arg12[%get3A_124, %get3A_125] : memref<1x4xf32, #tpu.memory_space<smem>>
    %add3A_127 = vector.broadcast %get3A_126 : f32 to vector<1024x1xf32>
    %add3A_128 = arith.addf %add3A_123, %add3A_127 : vector<1024x1xf32>
    %logistic3A = arith.negf %add3A_128 : vector<1024x1xf32>
    %logistic3A_129 = math.exp %logistic3A : vector<1024x1xf32>
    %logistic3A_130 = arith.constant 1.000000e+00 : f32
    %logistic3A_131 = vector.broadcast %logistic3A_130 : f32 to vector<1024x1xf32>
    %logistic3A_132 = arith.addf %logistic3A_131, %logistic3A_129 : vector<1024x1xf32>
    %logistic3A_133 = arith.divf %logistic3A_131, %logistic3A_132 : vector<1024x1xf32>
    %swap3A = arith.constant 0 : index
    %swap3A_134 = arith.constant 0 : index
    %swap3A_135 = vector.load %arg13[%swap3A, %swap3A_134] : memref<1024x1xf32, #tpu.memory_space<vmem>>, vector<1024x1xf32>
    tpu.vector_store %arg13[%swap3A, %swap3A_134], %logistic3A_133 {strides = array<i32>} : memref<1024x1xf32, #tpu.memory_space<vmem>>, vector<1024x1xf32>,
    return
  }
  func.func @transform_0(%arg0: i32) -> (i32, i32) {
    %c0_i32 = arith.constant 0 : i32
    %c0_i32_0 = arith.constant 0 : i32
    return %arg0, %c0_i32 : i32, i32
  }
  func.func @transform_1(%arg0: i32) -> (i32, i32) {
    %c0_i32 = arith.constant 0 : i32
    %c0_i32_0 = arith.constant 0 : i32
    return %arg0, %c0_i32 : i32, i32
  }
  func.func @transform_2(%arg0: i32) -> (i32, i32) {
    %c0_i32 = arith.constant 0 : i32
    %c0_i32_0 = arith.constant 0 : i32
    %c0_i32_1 = arith.constant 0 : i32
    return %c0_i32, %c0_i32_0 : i32, i32
  }
  func.func @transform_3(%arg0: i32) -> (i32, i32) {
    %c0_i32 = arith.constant 0 : i32
    %c0_i32_0 = arith.constant 0 : i32
    %c0_i32_1 = arith.constant 0 : i32
    return %c0_i32, %c0_i32_0 : i32, i32
  }
  func.func @transform_4(%arg0: i32) -> (i32, i32) {
    %c0_i32 = arith.constant 0 : i32
    %c0_i32_0 = arith.constant 0 : i32
    %c0_i32_1 = arith.constant 0 : i32
    return %c0_i32, %c0_i32_0 : i32, i32
  }
  func.func @transform_5(%arg0: i32) -> (i32, i32) {
    %c0_i32 = arith.constant 0 : i32
    %c0_i32_0 = arith.constant 0 : i32
    %c0_i32_1 = arith.constant 0 : i32
    return %c0_i32, %c0_i32_0 : i32, i32
  }
  func.func @transform_6(%arg0: i32) -> (i32, i32) {
    %c0_i32 = arith.constant 0 : i32
    %c0_i32_0 = arith.constant 0 : i32
    %c0_i32_1 = arith.constant 0 : i32
    return %c0_i32, %c0_i32_0 : i32, i32
  }
  func.func @transform_7(%arg0: i32) -> (i32, i32) {
    %c0_i32 = arith.constant 0 : i32
    %c0_i32_0 = arith.constant 0 : i32
    %c0_i32_1 = arith.constant 0 : i32
    return %c0_i32, %c0_i32_0 : i32, i32
  }
  func.func @transform_8(%arg0: i32) -> (i32, i32) {
    %c0_i32 = arith.constant 0 : i32
    %c0_i32_0 = arith.constant 0 : i32
    %c0_i32_1 = arith.constant 0 : i32
    return %c0_i32, %c0_i32_0 : i32, i32
  }
  func.func @transform_9(%arg0: i32) -> (i32, i32) {
    %c0_i32 = arith.constant 0 : i32
    %c0_i32_0 = arith.constant 0 : i32
    %c0_i32_1 = arith.constant 0 : i32
    return %c0_i32, %c0_i32_0 : i32, i32
  }
  func.func @transform_10(%arg0: i32) -> (i32, i32) {
    %c0_i32 = arith.constant 0 : i32
    %c0_i32_0 = arith.constant 0 : i32
    %c0_i32_1 = arith.constant 0 : i32
    return %c0_i32, %c0_i32_0 : i32, i32
  }
  func.func @transform_11(%arg0: i32) -> (i32, i32) {
    %c0_i32 = arith.constant 0 : i32
    %c0_i32_0 = arith.constant 0 : i32
    %c0_i32_1 = arith.constant 0 : i32
    return %c0_i32, %c0_i32_0 : i32, i32
  }
  func.func @transform_12(%arg0: i32) -> (i32, i32) {
    %c0_i32 = arith.constant 0 : i32
    %c0_i32_0 = arith.constant 0 : i32
    return %arg0, %c0_i32 : i32, i32
  }
}

</mosaic_0001>

<sc_bundles>
// kernel: kernel.5.cloned.1.call-start
scs
__scs_entry_jumppad:
0x0: {  	(pc) =	sbr.rel $0x88, $3  }
0x1: {  	(tag) =	ssettag $0x0;
	lr =	simm.s32 $0x1  }
0x2: {  	[smem:$0x3F93] =	sst lr;
	_ =	strace $0xD0000000  }
0x3: {  	_ = 	snop  }
0x4: {  	_ = 	snop  }
0x5: {  	_ = 	snop  }
0x6: {  	_ = 	snop  }
0x7: {  	_ = 	snop  }
__scs_overlays_trampoline_lowered:
0x8: {  	[smem:$0x3FA2] =	sst s0  }
0x9: {  	[smem:$0x3FA3] =	sst s1  }
0xa: {  	[smem:$0x3FA4] =	sst s2  }
0xb: {  	[smem:$0x3FA5] =	sst s3  }
0xc: {  	[smem:$0x3FA6] =	sst s4  }
0xd: {  	[smem:$0x3FA7] =	sst s5  }
0xe: {  	[smem:$0x3FA8] =	sst s6  }
0xf: {  	[smem:$0x3FA9] =	sst s7  }
0x10: {  	[smem:$0x3FAA] =	sst s8  }
0x11: {  	[smem:$0x3FAB] =	sst s9;
	s0 =	simm.s32 @!p0 $0x0  }
0x12: {  	s1 =	sld [smem:$0x3F91];
	s0 =	simm.s32 @p0 $0x1  }
0x13: {  	[smem:$0x3FAC] =	sst s0;
	s0 =	simm.s32 @!p1 $0x0  }
0x14: {  	s2 =	sld [smem:$0x3F90];
	s0 =	simm.s32 @p1 $0x1  }
0x15: {  	[smem:$0x3FAD] =	sst s0;
	s0 =	simm.s32 @!p2 $0x0  }
0x16: {  	s3 =	sld [smem:$0x3FDB];
	s0 =	simm.s32 @p2 $0x1  }
0x17: {  	s4 =	simm.s32 $0x1BF5;
	[smem:$0x3FAF] =	sst s0  }
0x18: {  	s0 =	sld [smem:$0x3F92];
	_ =	swait.ge [sflag:s4], $0x0  }
0x19: {  	s7 =	sld [smem:$0x3F93]  }
0x1a: {  	s8 =	sadd.s32 $0xFFFFE003, lr  }
0x1b: {  	s9 =	sadd.s32 $0xFFFFFEF7, lr;
	s5 =	simm.s32 $0xFFFFFFFF;
	p2 =	slt.u32 s8, $0xFFFFF086  }
0x1c: {  	p1 =	slt.u32 s9, $0xF7A;
	s5 =	simm.s32 @!p2 $0x0  }
0x1d: {  	s5 =	simm.s32 @p1 $0x1;
	p0 =	seq.s32 s7, s2  }
0x1e: {  	s7 =	smul.u32 @!p0 $0xF7A, s2;
	p2 =	seq.s32 @!p0 s5, $0x0  }
0x1f: {  	s9 =	smul.u32 $0xF7A, s1;
	s8 =	simm.s32 @!p0 $0x1BF5;
	p2 =	por !p2, p0  }
0x20: {  	[sflag:s8] =	ssyncset.s32 @!p0 $0xFFFFF086;
	s6 =	sadd.s32 @!p0 s3, s7;
	s7 =	simm.s32 @!p0 $0x108  }
0x21: {  	s3 =	sadd.s32 s3, s9;
	s6 =	sadd.s32 @!p0 $0x88, s6;
	s7 =	simm.s32 @p2 $0x1082  }
0x22: {  	[simem:s7], [sflag:s8] =	dma.local @!p0 [hbm:s6], $0xF7A  }
0x23: {  	s9 =	sor.u32 $0xD0000000, s2;
	s6 =	simm.s32 $0x108;
	_ =	swait.ge @!p0 [sflag:s8], $0x0  }
0x24: {  	s3 =	sadd.s32 $0x88, s3;
	s6 =	simm.s32 @!p1 $0x1082;
	[sflag:s4] =	ssyncset.s32 $0xFFFFF086  }
0x25: {  	[simem:s6], [sflag:s4] =	dma.local [hbm:s3], $0xF7A  }
0x26: {  	[smem:$0x3F93] =	sst s1;
	(tag) =	ssettag s2;
	_ =	strace s9  }
0x27: {  	s1 =	sld [smem:$0x3FA3]  }
0x28: {  	s2 =	sld [smem:$0x3FA4]  }
0x29: {  	s4 =	sld [smem:$0x3FA6]  }
0x2a: {  	p0 =	seq.s32 s5, $0x0;
	s5 =	sld [smem:$0x3FA7]  }
0x2b: {  	s6 =	sld [smem:$0x3FA8]  }
0x2c: {  	s7 =	sld [smem:$0x3FA9]  }
0x2d: {  	s3 =	simm.s32 $0x108;
	s8 =	sld [smem:$0x3FAA]  }
0x2e: {  	s3 =	simm.s32 @!p0 $0x1082;
	s9 =	sld [smem:$0x3FAB]  }
0x2f: {  	lr =	sadd.s32 s0, s3;
	s0 =	sld [smem:$0x3FA2]  }
0x30: {  	s3 =	sld [smem:$0x3FA5]  }
0x31: {  	[smem:$0x3FAE] =	sst s10  }
0x32: {  	s10 =	sld [smem:$0x3FAC];
	_ =	sdelay $0x3  }
0x33: {  	p0 =	seq.s32 s10, $0x1;
	s10 =	sld [smem:$0x3FAE];
	_ =	sdelay $0x3  }
0x34: {  	[smem:$0x3FAE] =	sst s10  }
0x35: {  	s10 =	sld [smem:$0x3FAD];
	_ =	sdelay $0x3  }
0x36: {  	p1 =	seq.s32 s10, $0x1;
	s10 =	sld [smem:$0x3FAE];
	_ =	sdelay $0x3  }
0x37: {  	[smem:$0x3FAE] =	sst s10  }
0x38: {  	s10 =	sld [smem:$0x3FAF]  }
0x39: {  	_ = 	snop;
	(pc) =	sbr.ind lr, $3  }
0x3a: {  	_ = 	snop  }
0x3b: {  	_ = 	snop  }
0x3c: {  	p2 =	seq.s32 s10, $0x1;
	s10 =	sld [smem:$0x3FAE]  }
0x3d: {  	_ =	shalt  }
0x3e: {  	_ =	shalt  }
0x3f: {  	_ =	shalt  }
0x40: {  	_ =	shalt  }
0x41: {  	_ =	shalt  }
0x42: {  	_ =	shalt  }
0x43: {  	_ =	shalt  }
0x44: {  	_ =	shalt  }
0x45: {  	_ =	shalt  }
0x46: {  	_ =	shalt  }
0x47: {  	_ =	shalt  }
0x48: {  	_ =	shalt  }
0x49: {  	_ =	shalt  }
0x4a: {  	_ =	shalt  }
0x4b: {  	_ =	shalt  }
0x4c: {  	_ =	shalt  }
0x4d: {  	_ =	shalt  }
0x4e: {  	_ =	shalt  }
0x4f: {  	_ =	shalt  }
0x50: {  	_ =	shalt  }
0x51: {  	_ =	shalt  }
0x52: {  	_ =	shalt  }
0x53: {  	_ =	shalt  }
0x54: {  	_ =	shalt  }
0x55: {  	_ =	shalt  }
0x56: {  	_ =	shalt  }
0x57: {  	_ =	shalt  }
0x58: {  	_ =	shalt  }
0x59: {  	_ =	shalt  }
0x5a: {  	_ =	shalt  }
0x5b: {  	_ =	shalt  }
0x5c: {  	_ =	shalt  }
0x5d: {  	_ =	shalt  }
0x5e: {  	_ =	shalt  }
0x5f: {  	_ =	shalt  }
0x60: {  	_ =	shalt  }
0x61: {  	_ =	shalt  }
0x62: {  	_ =	shalt  }
0x63: {  	_ =	shalt  }
0x64: {  	_ =	shalt  }
0x65: {  	_ =	shalt  }
0x66: {  	_ =	shalt  }
0x67: {  	_ =	shalt  }
0x68: {  	_ =	shalt  }
0x69: {  	_ =	shalt  }
0x6a: {  	_ =	shalt  }
0x6b: {  	_ =	shalt  }
0x6c: {  	_ =	shalt  }
0x6d: {  	_ =	shalt  }
0x6e: {  	_ =	shalt  }
0x6f: {  	_ =	shalt  }
0x70: {  	_ =	shalt  }
0x71: {  	_ =	shalt  }
0x72: {  	_ =	shalt  }
0x73: {  	_ =	shalt  }
0x74: {  	_ =	shalt  }
0x75: {  	_ =	shalt  }
0x76: {  	_ =	shalt  }
0x77: {  	_ =	shalt  }
0x78: {  	_ =	shalt  }
0x79: {  	_ =	shalt  }
0x7a: {  	_ =	shalt  }
0x7b: {  	_ =	shalt  }
0x7c: {  	_ =	shalt  }
0x7d: {  	_ =	shalt  }
0x7e: {  	_ =	shalt  }
0x7f: {  	_ =	shalt  }
0x80: {  	_ =	shalt  }
0x81: {  	_ =	shalt  }
0x82: {  	_ =	shalt  }
0x83: {  	_ =	shalt  }
0x84: {  	_ =	shalt  }
0x85: {  	_ =	shalt  }
0x86: {  	_ =	shalt  }
0x87: {  	_ =	shalt  }
.Lfunc_end0:
.L_simem_size_0:
called_computation_lowered:
.L_overlay_start_0:
0x88: {  	s2 =	sld [smem:$0x3FD9]  }
0x89: {  	s3 =	sld [smem:$0x3FFE];
	_ =	sdelay $0x1  }
0x8a: {  	s1 =	srdreg.scid  }
0x8b: {  	s0 =	sand.u32 $0x1, s1  }
0x8c: {  	s16 =	sshll.u32 s0, $0xA;
	s2 =	sadd.s32 s3, s2  }
0x8d: {  	s2 =	sadd.s32 s2, s16  }
0x8e: {  	[smem:$0x3FBA] =	sst s2  }
0x8f: {  	_ = 	snop  }
0x90: {  	(tm) =	ssettm $0x1  }
0x91: {  	s17 =	sld [smem:$0x3FFB];
	_ =	sdelay $0x3  }
0x92: {  	_ =	strace s17  }
0x93: {  	s2 =	sld [smem:$0x3FFC];
	_ =	sdelay $0x3  }
0x94: {  	_ =	strace s2  }
0x95: {  	s2 =	sld [smem:$0x3FFD];
	_ =	sdelay $0x3  }
0x96: {  	_ =	strace s2  }
0x97: {  	_ =	strace $0x8FFFFFFF  }
0x98: {  	s18 =	sld [smem:$0x3FDB];
	_ =	sdelay $0x1  }
0x99: {  	s19 =	simm.s32 $_scs_section_size  }
0x9a: {  	s4 =	simm.s32 $_size__tile_overlayer_lowered;
	s5 =	simm.s32 $_tile_overlayer_lowered  }
0x9b: {  	s22 =	simm.s32 $0x1BFF;
	s21 =	sshll.u32 s5, $0x1;
	s2 =	sadd.s32 s19, s18  }
0x9c: {  	s6 =	simm.s32 $0x0;
	s20 =	sshll.u32 s4, $0x1;
	s4 =	sadd.s32 s21, s2  }
0x9d: {  	[timem:s6], [sflag:s22] =	dma.local [hbm:s4], s20  }
0x9e: {  	_ =	swait.ge [sflag:s22], s20  }
0x9f: {  	s3 =	ssub.s32 $0x0, s20;
	[sflag:s22] =	ssyncset.done $0x0  }
0xa0: {  	[sflag:s22] =	ssyncadd.s32 s3;
	_ =	sdelay $0x1  }
0xa1: {  	s23 =	simm.s32 $0x1B8B  }
0xa2: {  	_ =	swait.ge [sflag:s23], $0x1  }
0xa3: {  	[sflag:s23] =	ssyncset.done $0x0  }
0xa4: {  	s25 =	simm.s32 $0x1B8E;
	s24 =	sld [smem:$0x3FFE];
	[sflag:s23] =	ssyncadd.s32 $0xFFFFFFFF  }
0xa5: {  	s26 =	simm.s32 $execute0_lowered;
	[smem:$0x3FD2] =	sst s25  }
0xa6: {  	s4 =	sshll.u32 s26, $0x1;
	_ =	strace $0x80000046;
	[dreg:$0x1] =	wrdreg $0xFFFFFFFF  }
0xa7: {  	s28 =	simm.s32 $_size_execute0_lowered;
	s2 =	sadd.s32 s2, s4;
	[dreg:$0x0] =	wrdreg $0x0  }
0xa8: {  	s4 =	sshll.u32 s28, $0x1;
	[dreg:$0x2] =	wrdreg s2  }
0xa9: {  	[dreg:$0x3] =	wrdreg s4  }
0xaa: {  	[dreg:$0x4] =	wrdreg $0xC0  }
0xab: {  	_ =	task [dreg:s6], $0x5FFFF  }
0xac: {  	[dreg:$0x1] =	wrdreg $0xFFFFFFFF  }
0xad: {  	[dreg:$0x0] =	wrdreg $0x60  }
0xae: {  	[dreg:$0x2] =	wrdreg s24  }
0xaf: {  	[dreg:$0x3] =	wrdreg $0x9  }
0xb0: {  	_ =	task.clear_ibuf [dreg:s6], $0x4FFFF;
	_ =	strace $0x90000046  }
0xb1: {  	s29 =	simm.s32 $0x9;
	_ =	strace $0x80000048  }
0xb2: {  	_ =	swait.ge [sflag:s29], $0x1  }
0xb3: {  	[sflag:s29] =	ssyncadd.s32 $0xFFFFFFFF  }
0xb4: {  	_ =	strace $0x90000048  }
0xb5: {  	_ =	sfence  }
0xb6: {  	s30 =	sld [smem:$0x0];
	_ =	sdelay $0x2  }
0xb7: {  	s31 =	sshll.u32 s1, $0xD;
	s1 =	sshrl.u32 s1, $0x2  }
0xb8: {  	s3 =	sand.u32 $0x4000, s31;
	s1 =	sadd.s32 s1, s30  }
0xb9: {  	s0 =	sor.u32 s3, s0;
	s1 =	sshll.u32 s1, $0x11  }
0xba: {  	s0 =	sor.u32 s1, s0  }
0xbb: {  	s0 =	sadd.s32 $0x8F2B, s0  }
0xbc: {  	[sflag:s0] =	ssyncadd.remote.s32 $0x1  }
0xbd: {  	_ =	sfence.sel $0xFFFF  }
0xbe: {  	[dreg:$0x0] =	wrdreg $0xFFFFFFFF;
	(pc) =	sbr.abs _section_cstart, $3  }
0xbf: {  	[dreg:$0x1] =	wrdreg $0xFFFFFFFF  }
0xc0: {  	_ =	task.clear_ibuf [dreg:s6], $0x2FFFF;
	_ =	strace $0x9FFFFFFF  }
0xc1: {  	(tm) =	ssettm $0x7FFFFFFF  }
tec
execute0_lowered:
.L_overlay_start_1:
0x0: {  	(tag) =	ssettag $0x1  }
0x1: {  	s1 =	srdreg.scid;
	s0 =	stileid.u32  }
0x2: {  	s26 =	sand.u32 $0x1, s1;
	s31 =	sshll.u32 s0, $0x1  }
0x3: {  	s12 =	sor.u32 s26, s31  }
0x4: {  	s3 =	smul.u32 $0x680, s12  }
0x5: {  	s10 =	rddreg [dreg:$0x0];
	s2 =	simm.s32 $0x0  }
0x6: {  	s4 =	simm.s32 $0x5;
	[smem:$0x7FF] =	sst s2;
	s3 =	sadd.s32 s3, s10  }
0x7: {  	s1 =	rddreg [dreg:$0x1];
	_ =	strace $0x80000047;
	s3 =	sadd.s32 $0x549C00, s3  }
0x8: {  	[tilespmem:s2], [sflag:$0x5] =	stream.linear.gather [hbm4b:s3+s2], $0x3400, $0x38;
	[tilespmem:$0x10400] =	vst v63  }
0x9: {  	_ =	swait.ge [sflag:s4], $0x3400  }
0xa: {  	s6 =	simm.s32 $0x680;
	[sflag:s4] =	ssyncset.done $0x0  }
0xb: {  	s7 =	simm.s32 $0x3400;
	s5 =	sadd.s32 $0x1C00, s10;
	[sflag:s4] =	ssyncadd.s32 $0xFFFFCC00  }
0xc: {  	[tilespmem:s7], [sflag:$0x1] =	stream.indirect.gather [hbm4b:s5+s6], $0x10, s2, s6, $0xb8;
	[tilespmem:$0x10400] =	vst v63  }
0xd: {  	s8 =	simm.s32 $0x9C00;
	s9 =	simm.s32 $0x1  }
0xe: {  	[tilespmem:s8], [sflag:$0x2] =	stream.indirect.gather [hbm4b:s5+s6], $0x10, s6, s6, $0xb8;
	[tilespmem:$0x10400] =	vst v63  }
0xf: {  	s11 =	smul.u32 $0x6800, s12;
	_ =	swait.ge [sflag:s9], $0x6800  }
0x10: {  	s14 =	sadd.s32 $0x556C00, s10;
	[sflag:s9] =	ssyncset.done $0x0  }
0x11: {  	s10 =	sadd.s32 s14, s11;
	s11 =	simm.s32 $0x3;
	[sflag:s9] =	ssyncadd.s32 $0xFFFF9800  }
0x12: {  	[hbm4b:s10+s2] =	stream.linear.scatter [tilespmem:s7], [sflag:$0x3], $0x6800, $0x38;
	[tilespmem:$0x10400] =	vst v63  }
0x13: {  	_ =	swait.ge [sflag:s11], $0x6800  }
0x14: {  	s13 =	simm.s32 $0x2;
	[sflag:s11] =	ssyncset.done $0x0  }
0x15: {  	s15 =	smul.u32 $0x34000, s12;
	s12 =	simm.s32 $0xD00;
	[sflag:s11] =	ssyncadd.s32 $0xFFFF9800  }
0x16: {  	[tilespmem:s7], [sflag:$0x1] =	stream.indirect.gather [hbm4b:s5+s6], $0x10, s12, s6, $0xb8;
	[tilespmem:$0x10400] =	vst v63  }
0x17: {  	s15 =	sshrl.u32 s15, $0x3;
	_ =	swait.ge [sflag:s13], $0x6800  }
0x18: {  	s28 =	sadd.s32 s14, s15;
	[sflag:s13] =	ssyncset.done $0x0  }
0x19: {  	s14 =	simm.s32 $0x4;
	s15 =	sadd.s32 $0xD00, s28;
	[sflag:s13] =	ssyncadd.s32 $0xFFFF9800  }
0x1a: {  	[hbm4b:s15+s2] =	stream.linear.scatter [tilespmem:s8], [sflag:$0x4], $0x6800, $0x38;
	[tilespmem:$0x10400] =	vst v63  }
0x1b: {  	_ =	swait.ge [sflag:s14], $0x6800  }
0x1c: {  	[sflag:s14] =	ssyncset.done $0x0  }
0x1d: {  	s16 =	simm.s32 $0x1380;
	[sflag:s14] =	ssyncadd.s32 $0xFFFF9800  }
0x1e: {  	[tilespmem:s8], [sflag:$0x2] =	stream.indirect.gather [hbm4b:s5+s6], $0x10, s16, s6, $0xb8;
	[tilespmem:$0x10400] =	vst v63  }
0x1f: {  	_ =	swait.ge [sflag:s9], $0x6800  }
0x20: {  	[sflag:s9] =	ssyncset.done $0x0  }
0x21: {  	s17 =	sadd.s32 $0x1A00, s28;
	[sflag:s9] =	ssyncadd.s32 $0xFFFF9800  }
0x22: {  	[hbm4b:s17+s2] =	stream.linear.scatter [tilespmem:s7], [sflag:$0x3], $0x6800, $0x38;
	[tilespmem:$0x10400] =	vst v63  }
0x23: {  	_ =	swait.ge [sflag:s11], $0x6800  }
0x24: {  	[sflag:s11] =	ssyncset.done $0x0  }
0x25: {  	s18 =	simm.s32 $0x1A00;
	[sflag:s11] =	ssyncadd.s32 $0xFFFF9800  }
0x26: {  	[tilespmem:s7], [sflag:$0x1] =	stream.indirect.gather [hbm4b:s5+s6], $0x10, s18, s6, $0xb8;
	[tilespmem:$0x10400] =	vst v63  }
0x27: {  	_ =	swait.ge [sflag:s13], $0x6800  }
0x28: {  	[sflag:s13] =	ssyncset.done $0x0  }
0x29: {  	s19 =	sadd.s32 $0x2700, s28;
	[sflag:s13] =	ssyncadd.s32 $0xFFFF9800  }
0x2a: {  	[hbm4b:s19+s2] =	stream.linear.scatter [tilespmem:s8], [sflag:$0x4], $0x6800, $0x38;
	[tilespmem:$0x10400] =	vst v63  }
0x2b: {  	_ =	swait.ge [sflag:s14], $0x6800  }
0x2c: {  	[sflag:s14] =	ssyncset.done $0x0  }
0x2d: {  	s20 =	simm.s32 $0x2080;
	[sflag:s14] =	ssyncadd.s32 $0xFFFF9800  }
0x2e: {  	[tilespmem:s8], [sflag:$0x2] =	stream.indirect.gather [hbm4b:s5+s6], $0x10, s20, s6, $0xb8;
	[tilespmem:$0x10400] =	vst v63  }
0x2f: {  	_ =	swait.ge [sflag:s9], $0x6800  }
0x30: {  	[sflag:s9] =	ssyncset.done $0x0  }
0x31: {  	s21 =	sadd.s32 $0x3400, s28;
	[sflag:s9] =	ssyncadd.s32 $0xFFFF9800  }
0x32: {  	[hbm4b:s21+s2] =	stream.linear.scatter [tilespmem:s7], [sflag:$0x3], $0x6800, $0x38;
	[tilespmem:$0x10400] =	vst v63  }
0x33: {  	_ =	swait.ge [sflag:s11], $0x6800  }
0x34: {  	[sflag:s11] =	ssyncset.done $0x0  }
0x35: {  	s22 =	simm.s32 $0x2700;
	[sflag:s11] =	ssyncadd.s32 $0xFFFF9800  }
0x36: {  	[tilespmem:s7], [sflag:$0x1] =	stream.indirect.gather [hbm4b:s5+s6], $0x10, s22, s6, $0xb8;
	[tilespmem:$0x10400] =	vst v63  }
0x37: {  	_ =	swait.ge [sflag:s13], $0x6800  }
0x38: {  	[sflag:s13] =	ssyncset.done $0x0  }
0x39: {  	s23 =	sadd.s32 $0x4100, s28;
	[sflag:s13] =	ssyncadd.s32 $0xFFFF9800  }
0x3a: {  	[hbm4b:s23+s2] =	stream.linear.scatter [tilespmem:s8], [sflag:$0x4], $0x6800, $0x38;
	[tilespmem:$0x10400] =	vst v63  }
0x3b: {  	_ =	swait.ge [sflag:s14], $0x6800  }
0x3c: {  	[sflag:s14] =	ssyncset.done $0x0  }
0x3d: {  	s24 =	simm.s32 $0x2D80;
	[sflag:s14] =	ssyncadd.s32 $0xFFFF9800  }
0x3e: {  	[tilespmem:s8], [sflag:$0x2] =	stream.indirect.gather [hbm4b:s5+s6], $0x10, s24, s6, $0xb8;
	[tilespmem:$0x10400] =	vst v63  }
0x3f: {  	_ =	swait.ge [sflag:s9], $0x6800  }
0x40: {  	s29 =	ssub.s32 $0x2, s26;
	s25 =	sadd.s32 $0x4E00, s28;
	[sflag:s9] =	ssyncset.done $0x0  }
0x41: {  	s26 =	sadd.s32 $0x5B00, s28;
	s28 =	sshrl.u32 s29, $0x1;
	[sflag:s9] =	ssyncadd.s32 $0xFFFF9800  }
0x42: {  	[hbm4b:s25+s2] =	stream.linear.scatter [tilespmem:s7], [sflag:$0x3], $0x6800, $0x38;
	[tilespmem:$0x10400] =	vst v63  }
0x43: {  	s28 =	ssub.s32 s29, s28;
	_ =	swait.ge [sflag:s13], $0x6800  }
0x44: {  	s28 =	smax.u32 s28, $0x1;
	[sflag:s13] =	ssyncset.done $0x0  }
0x45: {  	p0 =	sne.s32 s28, $0x1;
	[sflag:s13] =	ssyncadd.s32 $0xFFFF9800  }
0x46: {  	[hbm4b:s26+s2] =	stream.linear.scatter [tilespmem:s8], [sflag:$0x4], $0x6800, $0x38;
	[tilespmem:$0x10400] =	vst v63  }
.Ltmp0:
0x47: {  	_ =	swait.ge [sflag:s11], $0x6800;
	(pc) =	sbr.rel @!p0 .LBB2_2-.Ltmp0, $4  }
0x48: {  	[sflag:s11] =	ssyncset.done $0x0  }
0x49: {  	[sflag:s11] =	ssyncadd.s32 $0xFFFF9800  }
0x4a: {  	_ =	swait.ge [sflag:s14], $0x6800  }
0x4b: {  	s28 =	sadd.s32 $0xFFFFFFFF, s28;
	[sflag:s14] =	ssyncset.done $0x0  }
.LBB2_1:
0x4c: {  	p0 =	sne.s32 s28, $0x1;
	s28 =	sadd.s32 $0xFFFFFFFF, s28;
	[sflag:s14] =	ssyncadd.s32 $0xFFFF9800  }
0x4d: {  	[tilespmem:s2], [sflag:$0x5] =	stream.linear.gather [hbm4b:s3+s2], $0x3400, $0x38;
	[tilespmem:$0x10400] =	vst v63  }
0x4e: {  	_ =	swait.ge [sflag:s4], $0x3400  }
0x4f: {  	[sflag:s4] =	ssyncset.done $0x0  }
0x50: {  	[sflag:s4] =	ssyncadd.s32 $0xFFFFCC00  }
0x51: {  	[tilespmem:s7], [sflag:$0x1] =	stream.indirect.gather [hbm4b:s5+s6], $0x10, s2, s6, $0xb8;
	[tilespmem:$0x10400] =	vst v63  }
0x52: {  	_ = 	snop  }
0x53: {  	[tilespmem:s8], [sflag:$0x2] =	stream.indirect.gather [hbm4b:s5+s6], $0x10, s6, s6, $0xb8;
	[tilespmem:$0x10400] =	vst v63  }
0x54: {  	_ =	swait.ge [sflag:s9], $0x6800  }
0x55: {  	[sflag:s9] =	ssyncset.done $0x0  }
0x56: {  	[sflag:s9] =	ssyncadd.s32 $0xFFFF9800  }
0x57: {  	[hbm4b:s10+s2] =	stream.linear.scatter [tilespmem:s7], [sflag:$0x3], $0x6800, $0x38;
	[tilespmem:$0x10400] =	vst v63  }
0x58: {  	_ =	swait.ge [sflag:s11], $0x6800  }
0x59: {  	[sflag:s11] =	ssyncset.done $0x0  }
0x5a: {  	[sflag:s11] =	ssyncadd.s32 $0xFFFF9800  }
0x5b: {  	[tilespmem:s7], [sflag:$0x1] =	stream.indirect.gather [hbm4b:s5+s6], $0x10, s12, s6, $0xb8;
	[tilespmem:$0x10400] =	vst v63  }
0x5c: {  	_ =	swait.ge [sflag:s13], $0x6800  }
0x5d: {  	[sflag:s13] =	ssyncset.done $0x0  }
0x5e: {  	[sflag:s13] =	ssyncadd.s32 $0xFFFF9800  }
0x5f: {  	[hbm4b:s15+s2] =	stream.linear.scatter [tilespmem:s8], [sflag:$0x4], $0x6800, $0x38;
	[tilespmem:$0x10400] =	vst v63  }
0x60: {  	_ =	swait.ge [sflag:s14], $0x6800  }
0x61: {  	[sflag:s14] =	ssyncset.done $0x0  }
0x62: {  	[sflag:s14] =	ssyncadd.s32 $0xFFFF9800  }
0x63: {  	[tilespmem:s8], [sflag:$0x2] =	stream.indirect.gather [hbm4b:s5+s6], $0x10, s16, s6, $0xb8;
	[tilespmem:$0x10400] =	vst v63  }
0x64: {  	_ =	swait.ge [sflag:s9], $0x6800  }
0x65: {  	[sflag:s9] =	ssyncset.done $0x0  }
0x66: {  	[sflag:s9] =	ssyncadd.s32 $0xFFFF9800  }
0x67: {  	[hbm4b:s17+s2] =	stream.linear.scatter [tilespmem:s7], [sflag:$0x3], $0x6800, $0x38;
	[tilespmem:$0x10400] =	vst v63  }
0x68: {  	_ =	swait.ge [sflag:s11], $0x6800  }
0x69: {  	[sflag:s11] =	ssyncset.done $0x0  }
0x6a: {  	[sflag:s11] =	ssyncadd.s32 $0xFFFF9800  }
0x6b: {  	[tilespmem:s7], [sflag:$0x1] =	stream.indirect.gather [hbm4b:s5+s6], $0x10, s18, s6, $0xb8;
	[tilespmem:$0x10400] =	vst v63  }
0x6c: {  	_ =	swait.ge [sflag:s13], $0x6800  }
0x6d: {  	[sflag:s13] =	ssyncset.done $0x0  }
0x6e: {  	[sflag:s13] =	ssyncadd.s32 $0xFFFF9800  }
0x6f: {  	[hbm4b:s19+s2] =	stream.linear.scatter [tilespmem:s8], [sflag:$0x4], $0x6800, $0x38;
	[tilespmem:$0x10400] =	vst v63  }
0x70: {  	_ =	swait.ge [sflag:s14], $0x6800  }
0x71: {  	[sflag:s14] =	ssyncset.done $0x0  }
0x72: {  	[sflag:s14] =	ssyncadd.s32 $0xFFFF9800  }
0x73: {  	[tilespmem:s8], [sflag:$0x2] =	stream.indirect.gather [hbm4b:s5+s6], $0x10, s20, s6, $0xb8;
	[tilespmem:$0x10400] =	vst v63  }
0x74: {  	_ =	swait.ge [sflag:s9], $0x6800  }
0x75: {  	[sflag:s9] =	ssyncset.done $0x0  }
0x76: {  	[sflag:s9] =	ssyncadd.s32 $0xFFFF9800  }
0x77: {  	[hbm4b:s21+s2] =	stream.linear.scatter [tilespmem:s7], [sflag:$0x3], $0x6800, $0x38;
	[tilespmem:$0x10400] =	vst v63  }
0x78: {  	_ =	swait.ge [sflag:s11], $0x6800  }
0x79: {  	[sflag:s11] =	ssyncset.done $0x0  }
0x7a: {  	[sflag:s11] =	ssyncadd.s32 $0xFFFF9800  }
0x7b: {  	[tilespmem:s7], [sflag:$0x1] =	stream.indirect.gather [hbm4b:s5+s6], $0x10, s22, s6, $0xb8;
	[tilespmem:$0x10400] =	vst v63  }
0x7c: {  	_ =	swait.ge [sflag:s13], $0x6800  }
0x7d: {  	[sflag:s13] =	ssyncset.done $0x0  }
0x7e: {  	[sflag:s13] =	ssyncadd.s32 $0xFFFF9800  }
0x7f: {  	[hbm4b:s23+s2] =	stream.linear.scatter [tilespmem:s8], [sflag:$0x4], $0x6800, $0x38;
	[tilespmem:$0x10400] =	vst v63  }
0x80: {  	_ =	swait.ge [sflag:s14], $0x6800  }
0x81: {  	[sflag:s14] =	ssyncset.done $0x0  }
0x82: {  	[sflag:s14] =	ssyncadd.s32 $0xFFFF9800  }
0x83: {  	[tilespmem:s8], [sflag:$0x2] =	stream.indirect.gather [hbm4b:s5+s6], $0x10, s24, s6, $0xb8;
	[tilespmem:$0x10400] =	vst v63  }
0x84: {  	_ =	swait.ge [sflag:s9], $0x6800  }
0x85: {  	[sflag:s9] =	ssyncset.done $0x0  }
0x86: {  	[sflag:s9] =	ssyncadd.s32 $0xFFFF9800  }
0x87: {  	[hbm4b:s25+s2] =	stream.linear.scatter [tilespmem:s7], [sflag:$0x3], $0x6800, $0x38;
	[tilespmem:$0x10400] =	vst v63  }
0x88: {  	_ =	swait.ge [sflag:s13], $0x6800  }
0x89: {  	[sflag:s13] =	ssyncset.done $0x0  }
0x8a: {  	[sflag:s13] =	ssyncadd.s32 $0xFFFF9800  }
0x8b: {  	[hbm4b:s26+s2] =	stream.linear.scatter [tilespmem:s8], [sflag:$0x4], $0x6800, $0x38;
	[tilespmem:$0x10400] =	vst v63  }
.Ltmp1:
0x8c: {  	_ =	swait.ge [sflag:s11], $0x6800;
	(pc) =	sbr.rel @p0 .LBB2_1-.Ltmp1, $4  }
0x8d: {  	[sflag:s11] =	ssyncset.done $0x0  }
0x8e: {  	[sflag:s11] =	ssyncadd.s32 $0xFFFF9800  }
0x8f: {  	_ =	swait.ge [sflag:s14], $0x6800  }
0x90: {  	[sflag:s14] =	ssyncset.done $0x0  }
.LBB2_2:
0x91: {  	[sflag:s14] =	ssyncadd.s32 $0xFFFF9800  }
0x92: {  	_ =	sfence.sel $0x180000  }
0x93: {  	[bflag:$0x0] =	sbarrier.arrive $0xFFFF  }
0x94: {  	p0 =	sne.s32 s0, $0x0;
	_ =	strace $0x90000047  }
0x95: {  	s0 =	sadd.s32 @!p0 $0x100000, s1;
	[bflag:$0x2] =	sbarrier.arrive $0xFFFF  }
0x96: {  	[sflag:s0] =	ssyncadd.tile.s32 @!p0 $0x1;
	_ =	shalt  }
.Lfunc_end2:
_tile_overlayer_lowered:
.L_overlay_start_2:
0x97: {  	(tag) =	ssettag $0x2  }
0x98: {  	s0 =	rddreg [dreg:$0x0];
	s2 =	stileid.u32  }
0x99: {  	s1 =	rddreg [dreg:$0x1];
	p0 =	sne.s32 s2, $0x0  }
0x9a: {  	s3 =	rddreg [dreg:$0x2];
	[bflag:$0x3] =	sbarrier.arrive $0xFFFF;
	s2 =	simm.s32 @!p0 $0x1C05  }
0x9b: {  	[timem:s3], [sflag:s2] =	dma.local @!p0 [hbm:s0], s1  }
0x9c: {  	s0 =	simm.s32 @!p0 $0x5  }
0x9d: {  	_ =	swait.ge @!p0 [sflag:s0], s1  }
0x9e: {  	s1 =	ssub.s32 @!p0 $0x0, s1;
	[sflag:s0] =	ssyncset.done @!p0 $0x0  }
0x9f: {  	[sflag:s0] =	ssyncadd.s32 @!p0 s1  }
0xa0: {  	[bflag:$0x3] =	sbarrier.arrive $0xFFFF  }
0xa1: {  	_ =	shalt  }

</sc_bundles>
